<compile_context>
chip_gen: v7x
topology: tpu7x:2x2x1
jax: 0.10.2.dev20260603
libtpu: 0.0.44.dev20260713+nightly
codegen_flags: <defaults>
</compile_context>

<pallas_src>
import functools

import jax
import jax.numpy as jnp
from jax import lax
from jax.experimental import pallas as pl
from jax.experimental.pallas import tpu as pltpu
from jax.experimental.pallas import tpu_sc as plsc

N = 10000
E = 320000
C = 128
K = 27

NC = 2
NS = 16
LANES = 16

TILES = NC * NS
CHUNK = 128
EDGES_PER_TILE = 10240
NCHUNK = EDGES_PER_TILE // CHUNK
STAGES = 2
CPS = NCHUNK // STAGES
E_PAD = TILES * EDGES_PER_TILE
ACC_ROWS = 10112
ZERO_ROWS = 32
ROWS_PER_TILE = ACC_ROWS // NS

E_ROWS = E // CHUNK
PAD_ROWS = (E_PAD - E) // CHUNK


def _matmul_body(x_ref, w_ref, src_ref, dst_ref, ki_ref, y_ref, g_ref, d_ref):
    y_ref[...] = jnp.dot(x_ref[...], w_ref[0], preferred_element_type=jnp.float32)

    @pl.when(pl.program_id(0) == 0)
    def _():
        g_ref[pl.ds(0, E_ROWS)] = ki_ref[...] * N + src_ref[...]
        d_ref[pl.ds(0, E_ROWS)] = dst_ref[...]
        flat = (
            jax.lax.broadcasted_iota(jnp.int32, (PAD_ROWS, CHUNK), 0) * CHUNK
            + jax.lax.broadcasted_iota(jnp.int32, (PAD_ROWS, CHUNK), 1)
        )
        g_ref[pl.ds(E_ROWS, PAD_ROWS)] = flat % (K * N)
        d_ref[pl.ds(E_ROWS, PAD_ROWS)] = N + flat % (ACC_ROWS - N)


def _compute_y(x, w, src2, dst2, ki2):
    return pl.pallas_call(
        _matmul_body,
        grid=(K,),
        in_specs=[
            pl.BlockSpec((N, C), lambda k: (0, 0)),
            pl.BlockSpec((1, C, C), lambda k: (k, 0, 0)),
            pl.BlockSpec((E_ROWS, CHUNK), lambda k: (0, 0)),
            pl.BlockSpec((E_ROWS, CHUNK), lambda k: (0, 0)),
            pl.BlockSpec((E_ROWS, CHUNK), lambda k: (0, 0)),
        ],
        out_specs=[
            pl.BlockSpec((N, C), lambda k: (k, 0)),
            pl.BlockSpec((E_ROWS + PAD_ROWS, CHUNK), lambda k: (0, 0)),
            pl.BlockSpec((E_ROWS + PAD_ROWS, CHUNK), lambda k: (0, 0)),
        ],
        out_shape=[
            jax.ShapeDtypeStruct((K * N, C), jnp.float32),
            jax.ShapeDtypeStruct((E_ROWS + PAD_ROWS, CHUNK), jnp.int32),
            jax.ShapeDtypeStruct((E_ROWS + PAD_ROWS, CHUNK), jnp.int32),
        ],
        compiler_params=pltpu.CompilerParams(
            dimension_semantics=("parallel",),
        ),
    )(x, w, src2, dst2, ki2)


def _sc_edge_accum(y, g3, d3):
    mesh = plsc.VectorSubcoreMesh(core_axis_name="c", subcore_axis_name="s")

    @functools.partial(
        pl.kernel,
        mesh=mesh,
        out_type=jax.ShapeDtypeStruct((NC, ACC_ROWS, C), jnp.float32),
        scratch_types=[
            pltpu.VMEM((CPS, CHUNK), jnp.int32),
            pltpu.VMEM((CPS, CHUNK), jnp.int32),
            pltpu.VMEM((CHUNK, C), jnp.float32),
            pltpu.VMEM((CHUNK, C), jnp.float32),
            pltpu.VMEM((ZERO_ROWS, C), jnp.float32),
            pltpu.VMEM_SHARED((ACC_ROWS, C), jnp.float32),
            pltpu.SemaphoreType.DMA,
            pltpu.SemaphoreType.DMA,
        ],
    )
    def sc_kernel(y_hbm, g_hbm, d_hbm, out_hbm, g_v, d_v, rows0, rows1, zbuf,
                  acc, sem0, sem1):
        cid = lax.axis_index("c")
        sid = lax.axis_index("s")
        wid = cid * NS + sid
        rows = (rows0, rows1)
        sems = (sem0, sem1)

        @pl.loop(0, ZERO_ROWS)
        def _(i):
            @pl.loop(0, C, step=LANES)
            def _(cc):
                zbuf[i, pl.ds(cc, LANES)] = jnp.zeros((LANES,), jnp.float32)

        pltpu.sync_copy(g_hbm.at[wid].at[0], g_v)
        pltpu.sync_copy(d_hbm.at[wid].at[0], d_v)
        pltpu.async_copy(y_hbm.at[g_v.at[0]], rows0, sem0)
        pltpu.async_copy(y_hbm.at[g_v.at[1]], rows1, sem1)

        @pl.loop(0, ROWS_PER_TILE - ZERO_ROWS, step=ZERO_ROWS)
        def _(r):
            pltpu.sync_copy(
                zbuf, acc.at[pl.ds(sid * ROWS_PER_TILE + r, ZERO_ROWS)]
            )
        pltpu.sync_copy(
            zbuf.at[pl.ds(0, 24)],
            acc.at[pl.ds(sid * ROWS_PER_TILE + ROWS_PER_TILE - 24, 24)],
        )

        plsc.subcore_barrier()

        for s in range(STAGES):
            if s > 0:
                pltpu.sync_copy(g_hbm.at[wid].at[s], g_v)
                pltpu.sync_copy(d_hbm.at[wid].at[s], d_v)
                pltpu.async_copy(y_hbm.at[g_v.at[0]], rows0, sem0)
                pltpu.async_copy(y_hbm.at[g_v.at[1]], rows1, sem1)

            @pl.loop(0, CPS, step=2)
            def _(j):
                for b in range(2):
                    pltpu.make_async_copy(
                        y_hbm.at[pl.ds(0, CHUNK)], rows[b], sems[b]
                    ).wait()
                    pltpu.sync_copy(rows[b], acc.at[d_v.at[j + b]], add=True)

                    @pl.when(j + b + 2 < CPS)
                    def _():
                        pltpu.async_copy(
                            y_hbm.at[g_v.at[j + b + 2]], rows[b], sems[b]
                        )

        plsc.subcore_barrier()

        pltpu.sync_copy(
            acc.at[pl.ds(sid * ROWS_PER_TILE, ROWS_PER_TILE)],
            out_hbm.at[cid].at[pl.ds(sid * ROWS_PER_TILE, ROWS_PER_TILE)],
        )

    return sc_kernel(y, g3, d3)


def _add_body(p_ref, o_ref):
    o_ref[...] = p_ref[0] + p_ref[1]


def _combine(p):
    return pl.pallas_call(
        _add_body,
        grid=(5,),
        in_specs=[pl.BlockSpec((NC, N // 5, C), lambda i: (0, i, 0))],
        out_specs=pl.BlockSpec((N // 5, C), lambda i: (i, 0)),
        out_shape=jax.ShapeDtypeStruct((N, C), jnp.float32),
    )(p)


@jax.jit
def kernel(x, edge_index, kernel_idx, kernel):
    src2 = edge_index[0].reshape(E_ROWS, CHUNK)
    dst2 = edge_index[1].reshape(E_ROWS, CHUNK)
    ki2 = kernel_idx.reshape(E_ROWS, CHUNK)

    y, g2, d2 = _compute_y(x, kernel, src2, dst2, ki2)
    g3 = g2.reshape(TILES, STAGES, CPS, CHUNK)
    d3 = d2.reshape(TILES, STAGES, CPS, CHUNK)
    p = _sc_edge_accum(y, g3, d3)
    return _combine(p)

# --- scband reference (transcript-rebuilt; emitter-appended) ---
"""Pipeline reference for scband-conv3d-88364657148042 (READ-ONLY COPY).

The authoritative reference and input builder live on the scoring server;
editing this copy changes nothing except your own understanding.
"""

import jax, jax.numpy as jnp
import numpy as np

N = 10000      # active voxels (sparse tensor coordinates)
E = 320000     # neighbor-map entries (src voxel -> dst voxel via kernel offset)
C_IN = 128
C_OUT = 128
K = 27         # kernel_volume = 3*3*3


def setup_inputs(seed: int = 0) -> dict:
    key = jax.random.key(seed)
    k1, k2, k3, k4 = jax.random.split(key, 4)
    x = jax.random.normal(k1, (N, C_IN), dtype=jnp.float32)
    edge_index = jax.random.randint(k2, (2, E), 0, N, dtype=jnp.int32)
    kernel_idx = jax.random.randint(k3, (E,), 0, K, dtype=jnp.int32)
    std = 1.0 / float(np.sqrt(C_IN * K))
    kernel = jax.random.uniform(k4, (K, C_IN, C_OUT), dtype=jnp.float32, minval=-std, maxval=std)
    return {"x": x, "edge_index": edge_index, "kernel_idx": kernel_idx, "kernel": kernel}


def reference(x, edge_index, kernel_idx, kernel):
    # Sparse 3D convolution as message passing (gather -> per-offset matmul -> scatter-add):
    #   out[dst] += x[src] @ kernel[offset]  for every neighbor-map entry.
    # Implemented by scatter-adding gathered source features into per-(dst, offset)
    # accumulators (linearity makes this exactly equivalent), then contracting
    # against the [K, C_in, C_out] kernel.
    src = edge_index[0]
    dst = edge_index[1]
    gathered = jnp.take(x, src, axis=0)                       # [E, C_in] gather
    flat_idx = dst * K + kernel_idx                           # bucket per (dst, offset)
    buckets = jnp.zeros((N * K, C_IN), dtype=x.dtype)
    buckets = buckets.at[flat_idx].add(gathered)              # [N*K, C_in] scatter-add
    agg = buckets.reshape(N, K, C_IN)
    out = jnp.einsum('nki,kio->no', agg, kernel)              # [N, C_out]
    return out

if __name__ == "__main__":
    import jax
    _d = setup_inputs()
    print(jax.jit(kernel)(*tuple(_d.values())))

</pallas_src>

<mosaic_0001>
#map = affine_map<(d0, d1) -> (0, 0)>
#map1 = affine_map<(d0, d1) -> (0, 0, 0, 0)>
#map2 = affine_map<(d0, d1) -> (0, 0, 0)>
module attributes {stable_mosaic.version = 14 : i64} {
  func.func @sc_kernel(%arg0: i32, %arg1: i32, %arg2: memref<270000x128xf32, #tpu.memory_space<hbm>>, %arg3: memref<32x2x40x128xi32, #tpu.memory_space<hbm>>, %arg4: memref<32x2x40x128xi32, #tpu.memory_space<hbm>>, %arg5: memref<2x10112x128xf32, #tpu.memory_space<hbm>>, %arg6: memref<40x128xi32, #tpu.memory_space<vmem>>, %arg7: memref<40x128xi32, #tpu.memory_space<vmem>>, %arg8: memref<128x128xf32, #tpu.memory_space<vmem>>, %arg9: memref<128x128xf32, #tpu.memory_space<vmem>>, %arg10: memref<32x128xf32, #tpu.memory_space<vmem>>, %arg11: memref<10112x128xf32, #tpu.memory_space<vmem_shared>>, %arg12: memref<!tpu.dma_semaphore, #tpu.memory_space<semaphore_mem>>, %arg13: memref<!tpu.dma_semaphore, #tpu.memory_space<semaphore_mem>>) attributes {dimension_semantics = [#tpu.dimension_semantics<core_parallel>, #tpu.dimension_semantics<subcore_parallel>], iteration_bounds = array<i64: 2, 16>, scalar_prefetch = 0 : i64, scratch_operands = 8 : i64, tpu.core_type = #tpu.core_type<sc_vector_subcore>, window_params = [{transform_indices = #map}, {transform_indices = #map1}, {transform_indices = #map1}, {transform_indices = #map2}]} {
    %mul3A = arith.constant 16 : i32
    %mul3A_0 = arith.muli %arg0, %mul3A : i32
    %add3A = arith.addi %mul3A_0, %arg1 : i32
    %scan3A = arith.constant 0 : i32
    %scan3A_1 = arith.constant 32 : i32
    %scan3A_2 = arith.addi %scan3A, %scan3A_1 : i32
    %scan3A_3 = arith.constant 1 : i32
    scf.for %scan3A_60 = %scan3A to %scan3A_2 step %scan3A_3  : i32 {
      %mul3A_61 = arith.constant 1 : i32
      %mul3A_62 = arith.muli %scan3A_60, %mul3A_61 : i32
      %add3A_63 = arith.constant 0 : i32
      %add3A_64 = arith.addi %add3A_63, %mul3A_62 : i32
      %scan3A_65 = arith.constant 0 : i32
      %scan3A_66 = arith.constant 8 : i32
      %scan3A_67 = arith.addi %scan3A_65, %scan3A_66 : i32
      %scan3A_68 = arith.constant 1 : i32
      scf.for %scan3A_70 = %scan3A_65 to %scan3A_67 step %scan3A_68  : i32 {
        %mul3A_71 = arith.constant 16 : i32
        %mul3A_72 = arith.muli %scan3A_70, %mul3A_71 : i32
        %add3A_73 = arith.constant 0 : i32
        %add3A_74 = arith.addi %add3A_73, %mul3A_72 : i32
        %broadcast_in_dim3A = arith.constant 0.000000e+00 : f32
        %broadcast_in_dim3A_75 = vector.broadcast %broadcast_in_dim3A : f32 to vector<16xf32>
        %swap3A = arith.index_cast %add3A_64 : i32 to index
        %swap3A_76 = arith.index_cast %add3A_74 : i32 to index
        %swap3A_77 = tpu.vector_load %arg10[%swap3A, %swap3A_76] {strides = array<i32>} : memref<32x128xf32, #tpu.memory_space<vmem>>, vector<1x16xf32>,
        %swap3A_78 = vector.shape_cast %swap3A_77 : vector<1x16xf32> to vector<16xf32>
        %swap3A_79 = vector.shape_cast %broadcast_in_dim3A_75 : vector<16xf32> to vector<1x16xf32>
        tpu.vector_store %arg10[%swap3A, %swap3A_76], %swap3A_79 {strides = array<i32>} : memref<32x128xf32, #tpu.memory_space<vmem>>, vector<1x16xf32>,
      }
      %scan3A_69 = arith.constant 8 : i32
    }
    %scan3A_4 = arith.constant 32 : i32
    %run_scoped3A = arith.constant 0 : i32
    "tpu.region"() ({
      %run_scoped3A_60 = tpu.sem_alloc : memref<!tpu.dma_semaphore, #tpu.memory_space<semaphore_mem>>
      %dma_start3A_61 = arith.constant 0 : i32
      %dma_start3A_62 = arith.constant 0 : i32
      %dma_start3A_63 = arith.constant 0 : i32
      %dma_start3A_64 = tpu.memref_slice %arg3[%add3A, %dma_start3A_61, %dma_start3A_62, %dma_start3A_63] : memref<32x2x40x128xi32, #tpu.memory_space<hbm>> -> memref<1x2x40x128xi32, #tpu.memory_space<hbm>>
      %dma_start3A_65 = tpu.memref_squeeze %dma_start3A_64 : memref<1x2x40x128xi32, #tpu.memory_space<hbm>> -> memref<2x40x128xi32, #tpu.memory_space<hbm>>
      %dma_start3A_66 = arith.constant 0 : i32
      %dma_start3A_67 = arith.constant 0 : i32
      %dma_start3A_68 = tpu.memref_slice %dma_start3A_65[%run_scoped3A, %dma_start3A_66, %dma_start3A_67] : memref<2x40x128xi32, #tpu.memory_space<hbm>> -> memref<1x40x128xi32, #tpu.memory_space<hbm>>
      %dma_start3A_69 = tpu.memref_squeeze %dma_start3A_68 : memref<1x40x128xi32, #tpu.memory_space<hbm>> -> memref<40x128xi32, #tpu.memory_space<hbm>>
      %dma_start3A_70 = arith.constant 0 : i32
      %dma_start3A_71 = arith.constant 0 : i32
      %dma_start3A_72 = arith.constant 0 : i32
      %dma_start3A_73 = tpu.memref_slice %arg3[%add3A, %dma_start3A_70, %dma_start3A_71, %dma_start3A_72] : memref<32x2x40x128xi32, #tpu.memory_space<hbm>> -> memref<1x2x40x128xi32, #tpu.memory_space<hbm>>
      %dma_start3A_74 = tpu.memref_squeeze %dma_start3A_73 : memref<1x2x40x128xi32, #tpu.memory_space<hbm>> -> memref<2x40x128xi32, #tpu.memory_space<hbm>>
      %dma_start3A_75 = arith.constant 0 : i32
      %dma_start3A_76 = arith.constant 0 : i32
      %dma_start3A_77 = tpu.memref_slice %dma_start3A_74[%run_scoped3A, %dma_start3A_75, %dma_start3A_76] : memref<2x40x128xi32, #tpu.memory_space<hbm>> -> memref<1x40x128xi32, #tpu.memory_space<hbm>>
      %dma_start3A_78 = tpu.memref_squeeze %dma_start3A_77 : memref<1x40x128xi32, #tpu.memory_space<hbm>> -> memref<40x128xi32, #tpu.memory_space<hbm>>
      tpu.enqueue_dma source(%dma_start3A_78 : memref<40x128xi32, #tpu.memory_space<hbm>>) target(%arg6 : memref<40x128xi32, #tpu.memory_space<vmem>>) target_semaphore(%run_scoped3A_60 : memref<!tpu.dma_semaphore, #tpu.memory_space<semaphore_mem>>)
      %dma_wait3A = arith.constant 0 : i32
      %dma_wait3A_79 = arith.constant 0 : i32
      %dma_wait3A_80 = arith.constant 0 : i32
      %dma_wait3A_81 = tpu.memref_slice %arg3[%add3A, %dma_wait3A, %dma_wait3A_79, %dma_wait3A_80] : memref<32x2x40x128xi32, #tpu.memory_space<hbm>> -> memref<1x2x40x128xi32, #tpu.memory_space<hbm>>
      %dma_wait3A_82 = tpu.memref_squeeze %dma_wait3A_81 : memref<1x2x40x128xi32, #tpu.memory_space<hbm>> -> memref<2x40x128xi32, #tpu.memory_space<hbm>>
      %dma_wait3A_83 = arith.constant 0 : i32
      %dma_wait3A_84 = arith.constant 0 : i32
      %dma_wait3A_85 = tpu.memref_slice %dma_wait3A_82[%run_scoped3A, %dma_wait3A_83, %dma_wait3A_84] : memref<2x40x128xi32, #tpu.memory_space<hbm>> -> memref<1x40x128xi32, #tpu.memory_space<hbm>>
      %dma_wait3A_86 = tpu.memref_squeeze %dma_wait3A_85 : memref<1x40x128xi32, #tpu.memory_space<hbm>> -> memref<40x128xi32, #tpu.memory_space<hbm>>
      %dma_wait3A_87 = arith.constant 0 : i32
      %dma_wait3A_88 = arith.constant 0 : i32
      %dma_wait3A_89 = arith.constant 0 : i32
      %dma_wait3A_90 = tpu.memref_slice %arg3[%add3A, %dma_wait3A_87, %dma_wait3A_88, %dma_wait3A_89] : memref<32x2x40x128xi32, #tpu.memory_space<hbm>> -> memref<1x2x40x128xi32, #tpu.memory_space<hbm>>
      %dma_wait3A_91 = tpu.memref_squeeze %dma_wait3A_90 : memref<1x2x40x128xi32, #tpu.memory_space<hbm>> -> memref<2x40x128xi32, #tpu.memory_space<hbm>>
      %dma_wait3A_92 = arith.constant 0 : i32
      %dma_wait3A_93 = arith.constant 0 : i32
      %dma_wait3A_94 = tpu.memref_slice %dma_wait3A_91[%run_scoped3A, %dma_wait3A_92, %dma_wait3A_93] : memref<2x40x128xi32, #tpu.memory_space<hbm>> -> memref<1x40x128xi32, #tpu.memory_space<hbm>>
      %dma_wait3A_95 = tpu.memref_squeeze %dma_wait3A_94 : memref<1x40x128xi32, #tpu.memory_space<hbm>> -> memref<40x128xi32, #tpu.memory_space<hbm>>
      tpu.wait_dma2 semaphore(%run_scoped3A_60 : memref<!tpu.dma_semaphore, #tpu.memory_space<semaphore_mem>>) src(%dma_wait3A_95 : memref<40x128xi32, #tpu.memory_space<hbm>>) dst(%arg6 : memref<40x128xi32, #tpu.memory_space<vmem>>)
      tpu.yield
    }) : () -> ()
    %run_scoped3A_5 = arith.constant 0 : i32
    "tpu.region"() ({
      %run_scoped3A_60 = tpu.sem_alloc : memref<!tpu.dma_semaphore, #tpu.memory_space<semaphore_mem>>
      %dma_start3A_61 = arith.constant 0 : i32
      %dma_start3A_62 = arith.constant 0 : i32
      %dma_start3A_63 = arith.constant 0 : i32
      %dma_start3A_64 = tpu.memref_slice %arg4[%add3A, %dma_start3A_61, %dma_start3A_62, %dma_start3A_63] : memref<32x2x40x128xi32, #tpu.memory_space<hbm>> -> memref<1x2x40x128xi32, #tpu.memory_space<hbm>>
      %dma_start3A_65 = tpu.memref_squeeze %dma_start3A_64 : memref<1x2x40x128xi32, #tpu.memory_space<hbm>> -> memref<2x40x128xi32, #tpu.memory_space<hbm>>
      %dma_start3A_66 = arith.constant 0 : i32
      %dma_start3A_67 = arith.constant 0 : i32
      %dma_start3A_68 = tpu.memref_slice %dma_start3A_65[%run_scoped3A_5, %dma_start3A_66, %dma_start3A_67] : memref<2x40x128xi32, #tpu.memory_space<hbm>> -> memref<1x40x128xi32, #tpu.memory_space<hbm>>
      %dma_start3A_69 = tpu.memref_squeeze %dma_start3A_68 : memref<1x40x128xi32, #tpu.memory_space<hbm>> -> memref<40x128xi32, #tpu.memory_space<hbm>>
      %dma_start3A_70 = arith.constant 0 : i32
      %dma_start3A_71 = arith.constant 0 : i32
      %dma_start3A_72 = arith.constant 0 : i32
      %dma_start3A_73 = tpu.memref_slice %arg4[%add3A, %dma_start3A_70, %dma_start3A_71, %dma_start3A_72] : memref<32x2x40x128xi32, #tpu.memory_space<hbm>> -> memref<1x2x40x128xi32, #tpu.memory_space<hbm>>
      %dma_start3A_74 = tpu.memref_squeeze %dma_start3A_73 : memref<1x2x40x128xi32, #tpu.memory_space<hbm>> -> memref<2x40x128xi32, #tpu.memory_space<hbm>>
      %dma_start3A_75 = arith.constant 0 : i32
      %dma_start3A_76 = arith.constant 0 : i32
      %dma_start3A_77 = tpu.memref_slice %dma_start3A_74[%run_scoped3A_5, %dma_start3A_75, %dma_start3A_76] : memref<2x40x128xi32, #tpu.memory_space<hbm>> -> memref<1x40x128xi32, #tpu.memory_space<hbm>>
      %dma_start3A_78 = tpu.memref_squeeze %dma_start3A_77 : memref<1x40x128xi32, #tpu.memory_space<hbm>> -> memref<40x128xi32, #tpu.memory_space<hbm>>
      tpu.enqueue_dma source(%dma_start3A_78 : memref<40x128xi32, #tpu.memory_space<hbm>>) target(%arg7 : memref<40x128xi32, #tpu.memory_space<vmem>>) target_semaphore(%run_scoped3A_60 : memref<!tpu.dma_semaphore, #tpu.memory_space<semaphore_mem>>)
      %dma_wait3A = arith.constant 0 : i32
      %dma_wait3A_79 = arith.constant 0 : i32
      %dma_wait3A_80 = arith.constant 0 : i32
      %dma_wait3A_81 = tpu.memref_slice %arg4[%add3A, %dma_wait3A, %dma_wait3A_79, %dma_wait3A_80] : memref<32x2x40x128xi32, #tpu.memory_space<hbm>> -> memref<1x2x40x128xi32, #tpu.memory_space<hbm>>
      %dma_wait3A_82 = tpu.memref_squeeze %dma_wait3A_81 : memref<1x2x40x128xi32, #tpu.memory_space<hbm>> -> memref<2x40x128xi32, #tpu.memory_space<hbm>>
      %dma_wait3A_83 = arith.constant 0 : i32
      %dma_wait3A_84 = arith.constant 0 : i32
      %dma_wait3A_85 = tpu.memref_slice %dma_wait3A_82[%run_scoped3A_5, %dma_wait3A_83, %dma_wait3A_84] : memref<2x40x128xi32, #tpu.memory_space<hbm>> -> memref<1x40x128xi32, #tpu.memory_space<hbm>>
      %dma_wait3A_86 = tpu.memref_squeeze %dma_wait3A_85 : memref<1x40x128xi32, #tpu.memory_space<hbm>> -> memref<40x128xi32, #tpu.memory_space<hbm>>
      %dma_wait3A_87 = arith.constant 0 : i32
      %dma_wait3A_88 = arith.constant 0 : i32
      %dma_wait3A_89 = arith.constant 0 : i32
      %dma_wait3A_90 = tpu.memref_slice %arg4[%add3A, %dma_wait3A_87, %dma_wait3A_88, %dma_wait3A_89] : memref<32x2x40x128xi32, #tpu.memory_space<hbm>> -> memref<1x2x40x128xi32, #tpu.memory_space<hbm>>
      %dma_wait3A_91 = tpu.memref_squeeze %dma_wait3A_90 : memref<1x2x40x128xi32, #tpu.memory_space<hbm>> -> memref<2x40x128xi32, #tpu.memory_space<hbm>>
      %dma_wait3A_92 = arith.constant 0 : i32
      %dma_wait3A_93 = arith.constant 0 : i32
      %dma_wait3A_94 = tpu.memref_slice %dma_wait3A_91[%run_scoped3A_5, %dma_wait3A_92, %dma_wait3A_93] : memref<2x40x128xi32, #tpu.memory_space<hbm>> -> memref<1x40x128xi32, #tpu.memory_space<hbm>>
      %dma_wait3A_95 = tpu.memref_squeeze %dma_wait3A_94 : memref<1x40x128xi32, #tpu.memory_space<hbm>> -> memref<40x128xi32, #tpu.memory_space<hbm>>
      tpu.wait_dma2 semaphore(%run_scoped3A_60 : memref<!tpu.dma_semaphore, #tpu.memory_space<semaphore_mem>>) src(%dma_wait3A_95 : memref<40x128xi32, #tpu.memory_space<hbm>>) dst(%arg7 : memref<40x128xi32, #tpu.memory_space<vmem>>)
      tpu.yield
    }) : () -> ()
    %dma_start3A = arith.constant 0 : i32
    %dma_start3A_6 = arith.constant 0 : i32
    %dma_start3A_7 = tpu.memref_slice %arg6[%dma_start3A, %dma_start3A_6] : memref<40x128xi32, #tpu.memory_space<vmem>> -> memref<1x128xi32, #tpu.memory_space<vmem>>
    %dma_start3A_8 = tpu.memref_squeeze %dma_start3A_7 : memref<1x128xi32, #tpu.memory_space<vmem>> -> memref<128xi32, #tpu.memory_space<vmem>>
    %dma_start3A_9 = arith.constant 0 : i32
    %dma_start3A_10 = arith.constant 0 : i32
    %dma_start3A_11 = tpu.memref_slice %arg2[%dma_start3A_9, %dma_start3A_10] : memref<270000x128xf32, #tpu.memory_space<hbm>> -> memref<270000x128xf32, #tpu.memory_space<hbm>>
    tpu.enqueue_indirect_dma source(%dma_start3A_11 : memref<270000x128xf32, #tpu.memory_space<hbm>>) target(%arg8 : memref<128x128xf32, #tpu.memory_space<vmem>>) offsets(%dma_start3A_8 : memref<128xi32, #tpu.memory_space<vmem>>) semaphore(%arg12 : memref<!tpu.dma_semaphore, #tpu.memory_space<semaphore_mem>>)
    %dma_start3A_12 = arith.constant 1 : i32
    %dma_start3A_13 = arith.constant 0 : i32
    %dma_start3A_14 = tpu.memref_slice %arg6[%dma_start3A_12, %dma_start3A_13] : memref<40x128xi32, #tpu.memory_space<vmem>> -> memref<1x128xi32, #tpu.memory_space<vmem>>
    %dma_start3A_15 = tpu.memref_squeeze %dma_start3A_14 : memref<1x128xi32, #tpu.memory_space<vmem>> -> memref<128xi32, #tpu.memory_space<vmem>>
    %dma_start3A_16 = arith.constant 0 : i32
    %dma_start3A_17 = arith.constant 0 : i32
    %dma_start3A_18 = tpu.memref_slice %arg2[%dma_start3A_16, %dma_start3A_17] : memref<270000x128xf32, #tpu.memory_space<hbm>> -> memref<270000x128xf32, #tpu.memory_space<hbm>>
    tpu.enqueue_indirect_dma source(%dma_start3A_18 : memref<270000x128xf32, #tpu.memory_space<hbm>>) target(%arg9 : memref<128x128xf32, #tpu.memory_space<vmem>>) offsets(%dma_start3A_15 : memref<128xi32, #tpu.memory_space<vmem>>) semaphore(%arg13 : memref<!tpu.dma_semaphore, #tpu.memory_space<semaphore_mem>>)
    %scan3A_19 = arith.constant 0 : i32
    %scan3A_20 = arith.constant 19 : i32
    %scan3A_21 = arith.addi %scan3A_19, %scan3A_20 : i32
    %scan3A_22 = arith.constant 1 : i32
    scf.for %scan3A_60 = %scan3A_19 to %scan3A_21 step %scan3A_22  : i32 {
      %mul3A_61 = arith.constant 32 : i32
      %mul3A_62 = arith.muli %scan3A_60, %mul3A_61 : i32
      %add3A_63 = arith.constant 0 : i32
      %add3A_64 = arith.addi %add3A_63, %mul3A_62 : i32
      %mul3A_65 = arith.constant 632 : i32
      %mul3A_66 = arith.muli %arg1, %mul3A_65 : i32
      %add3A_67 = arith.addi %mul3A_66, %add3A_64 : i32
      "tpu.region"() ({
        %run_scoped3A_68 = tpu.sem_alloc : memref<!tpu.dma_semaphore, #tpu.memory_space<semaphore_mem>>
        %dma_start3A_69 = arith.constant 0 : i32
        %dma_start3A_70 = tpu.memref_slice %arg11[%add3A_67, %dma_start3A_69] : memref<10112x128xf32, #tpu.memory_space<vmem_shared>> -> memref<32x128xf32, #tpu.memory_space<vmem_shared>>
        %dma_start3A_71 = arith.constant 0 : i32
        %dma_start3A_72 = tpu.memref_slice %arg11[%add3A_67, %dma_start3A_71] : memref<10112x128xf32, #tpu.memory_space<vmem_shared>> -> memref<32x128xf32, #tpu.memory_space<vmem_shared>>
        tpu.enqueue_dma source(%arg10 : memref<32x128xf32, #tpu.memory_space<vmem>>) target(%dma_start3A_72 : memref<32x128xf32, #tpu.memory_space<vmem_shared>>) target_semaphore(%run_scoped3A_68 : memref<!tpu.dma_semaphore, #tpu.memory_space<semaphore_mem>>)
        %dma_wait3A = arith.constant 0 : i32
        %dma_wait3A_73 = tpu.memref_slice %arg11[%add3A_67, %dma_wait3A] : memref<10112x128xf32, #tpu.memory_space<vmem_shared>> -> memref<32x128xf32, #tpu.memory_space<vmem_shared>>
        %dma_wait3A_74 = arith.constant 0 : i32
        %dma_wait3A_75 = tpu.memref_slice %arg11[%add3A_67, %dma_wait3A_74] : memref<10112x128xf32, #tpu.memory_space<vmem_shared>> -> memref<32x128xf32, #tpu.memory_space<vmem_shared>>
        tpu.wait_dma2 semaphore(%run_scoped3A_68 : memref<!tpu.dma_semaphore, #tpu.memory_space<semaphore_mem>>) src(%arg10 : memref<32x128xf32, #tpu.memory_space<vmem>>) dst(%dma_wait3A_75 : memref<32x128xf32, #tpu.memory_space<vmem_shared>>)
        tpu.yield
      }) : () -> ()
    }
    %scan3A_23 = arith.constant 19 : i32
    %mul3A_24 = arith.constant 632 : i32
    %mul3A_25 = arith.muli %arg1, %mul3A_24 : i32
    %add3A_26 = arith.constant 632 : i32
    %add3A_27 = arith.addi %mul3A_25, %add3A_26 : i32
    %sub3A = arith.constant 24 : i32
    %sub3A_28 = arith.subi %add3A_27, %sub3A : i32
    "tpu.region"() ({
      %run_scoped3A_60 = tpu.sem_alloc : memref<!tpu.dma_semaphore, #tpu.memory_space<semaphore_mem>>
      %dma_start3A_61 = arith.constant 0 : i32
      %dma_start3A_62 = arith.constant 0 : i32
      %dma_start3A_63 = tpu.memref_slice %arg10[%dma_start3A_61, %dma_start3A_62] : memref<32x128xf32, #tpu.memory_space<vmem>> -> memref<24x128xf32, #tpu.memory_space<vmem>>
      %dma_start3A_64 = arith.constant 0 : i32
      %dma_start3A_65 = tpu.memref_slice %arg11[%sub3A_28, %dma_start3A_64] : memref<10112x128xf32, #tpu.memory_space<vmem_shared>> -> memref<24x128xf32, #tpu.memory_space<vmem_shared>>
      %dma_start3A_66 = arith.constant 0 : i32
      %dma_start3A_67 = tpu.memref_slice %arg11[%sub3A_28, %dma_start3A_66] : memref<10112x128xf32, #tpu.memory_space<vmem_shared>> -> memref<24x128xf32, #tpu.memory_space<vmem_shared>>
      %dma_start3A_68 = arith.constant 0 : i32
      %dma_start3A_69 = arith.constant 0 : i32
      %dma_start3A_70 = tpu.memref_slice %arg10[%dma_start3A_68, %dma_start3A_69] : memref<32x128xf32, #tpu.memory_space<vmem>> -> memref<24x128xf32, #tpu.memory_space<vmem>>
      tpu.enqueue_dma source(%dma_start3A_70 : memref<24x128xf32, #tpu.memory_space<vmem>>) target(%dma_start3A_67 : memref<24x128xf32, #tpu.memory_space<vmem_shared>>) target_semaphore(%run_scoped3A_60 : memref<!tpu.dma_semaphore, #tpu.memory_space<semaphore_mem>>)
      %dma_wait3A = arith.constant 0 : i32
      %dma_wait3A_71 = arith.constant 0 : i32
      %dma_wait3A_72 = tpu.memref_slice %arg10[%dma_wait3A, %dma_wait3A_71] : memref<32x128xf32, #tpu.memory_space<vmem>> -> memref<24x128xf32, #tpu.memory_space<vmem>>
      %dma_wait3A_73 = arith.constant 0 : i32
      %dma_wait3A_74 = tpu.memref_slice %arg11[%sub3A_28, %dma_wait3A_73] : memref<10112x128xf32, #tpu.memory_space<vmem_shared>> -> memref<24x128xf32, #tpu.memory_space<vmem_shared>>
      %dma_wait3A_75 = arith.constant 0 : i32
      %dma_wait3A_76 = tpu.memref_slice %arg11[%sub3A_28, %dma_wait3A_75] : memref<10112x128xf32, #tpu.memory_space<vmem_shared>> -> memref<24x128xf32, #tpu.memory_space<vmem_shared>>
      %dma_wait3A_77 = arith.constant 0 : i32
      %dma_wait3A_78 = arith.constant 0 : i32
      %dma_wait3A_79 = tpu.memref_slice %arg10[%dma_wait3A_77, %dma_wait3A_78] : memref<32x128xf32, #tpu.memory_space<vmem>> -> memref<24x128xf32, #tpu.memory_space<vmem>>
      tpu.wait_dma2 semaphore(%run_scoped3A_60 : memref<!tpu.dma_semaphore, #tpu.memory_space<semaphore_mem>>) src(%dma_wait3A_79 : memref<24x128xf32, #tpu.memory_space<vmem>>) dst(%dma_wait3A_76 : memref<24x128xf32, #tpu.memory_space<vmem_shared>>)
      tpu.yield
    }) : () -> ()
    %barrier3A = arith.constant 0 : index
    tpu.barrier barrier_id(%barrier3A)
    %scan3A_29 = arith.constant 0 : i32
    %scan3A_30 = arith.constant 20 : i32
    %scan3A_31 = arith.addi %scan3A_29, %scan3A_30 : i32
    %scan3A_32 = arith.constant 1 : i32
    scf.for %scan3A_60 = %scan3A_29 to %scan3A_31 step %scan3A_32  : i32 {
      %mul3A_61 = arith.constant 2 : i32
      %mul3A_62 = arith.muli %scan3A_60, %mul3A_61 : i32
      %add3A_63 = arith.constant 0 : i32
      %add3A_64 = arith.addi %add3A_63, %mul3A_62 : i32
      %dma_wait3A = arith.constant 0 : i32
      %dma_wait3A_65 = arith.constant 0 : i32
      %dma_wait3A_66 = tpu.memref_slice %arg2[%dma_wait3A, %dma_wait3A_65] : memref<270000x128xf32, #tpu.memory_space<hbm>> -> memref<128x128xf32, #tpu.memory_space<hbm>>
      %dma_wait3A_67 = arith.constant 0 : i32
      %dma_wait3A_68 = arith.constant 0 : i32
      %dma_wait3A_69 = tpu.memref_slice %arg2[%dma_wait3A_67, %dma_wait3A_68] : memref<270000x128xf32, #tpu.memory_space<hbm>> -> memref<128x128xf32, #tpu.memory_space<hbm>>
      tpu.wait_dma2 semaphore(%arg12 : memref<!tpu.dma_semaphore, #tpu.memory_space<semaphore_mem>>) src(%dma_wait3A_69 : memref<128x128xf32, #tpu.memory_space<hbm>>) dst(%arg8 : memref<128x128xf32, #tpu.memory_space<vmem>>)
      %add3A_70 = arith.constant 0 : i32
      %add3A_71 = arith.addi %add3A_64, %add3A_70 : i32
      "tpu.region"() ({
        %run_scoped3A_95 = tpu.sem_alloc : memref<!tpu.dma_semaphore, #tpu.memory_space<semaphore_mem>>
        %dma_start3A_96 = arith.constant 0 : i32
        %dma_start3A_97 = tpu.memref_slice %arg7[%add3A_71, %dma_start3A_96] : memref<40x128xi32, #tpu.memory_space<vmem>> -> memref<1x128xi32, #tpu.memory_space<vmem>>
        %dma_start3A_98 = tpu.memref_squeeze %dma_start3A_97 : memref<1x128xi32, #tpu.memory_space<vmem>> -> memref<128xi32, #tpu.memory_space<vmem>>
        %dma_start3A_99 = arith.constant 0 : i32
        %dma_start3A_100 = arith.constant 0 : i32
        %dma_start3A_101 = tpu.memref_slice %arg11[%dma_start3A_99, %dma_start3A_100] : memref<10112x128xf32, #tpu.memory_space<vmem_shared>> -> memref<10112x128xf32, #tpu.memory_space<vmem_shared>>
        tpu.enqueue_indirect_dma source(%arg8 : memref<128x128xf32, #tpu.memory_space<vmem>>) target(%dma_start3A_101 : memref<10112x128xf32, #tpu.memory_space<vmem_shared>>) offsets(%dma_start3A_98 : memref<128xi32, #tpu.memory_space<vmem>>) semaphore(%run_scoped3A_95 : memref<!tpu.dma_semaphore, #tpu.memory_space<semaphore_mem>>) {add = true}
        %dma_wait3A_102 = arith.constant 0 : i32
        %dma_wait3A_103 = tpu.memref_slice %arg7[%add3A_71, %dma_wait3A_102] : memref<40x128xi32, #tpu.memory_space<vmem>> -> memref<1x128xi32, #tpu.memory_space<vmem>>
        %dma_wait3A_104 = tpu.memref_squeeze %dma_wait3A_103 : memref<1x128xi32, #tpu.memory_space<vmem>> -> memref<128xi32, #tpu.memory_space<vmem>>
        %dma_wait3A_105 = arith.constant 0 : i32
        %dma_wait3A_106 = arith.constant 0 : i32
        %dma_wait3A_107 = tpu.memref_slice %arg11[%dma_wait3A_105, %dma_wait3A_106] : memref<10112x128xf32, #tpu.memory_space<vmem_shared>> -> memref<10112x128xf32, #tpu.memory_space<vmem_shared>>
        tpu.wait_indirect_dma semaphore(%run_scoped3A_95 : memref<!tpu.dma_semaphore, #tpu.memory_space<semaphore_mem>>) src(%arg8 : memref<128x128xf32, #tpu.memory_space<vmem>>) dst(%dma_wait3A_107 : memref<10112x128xf32, #tpu.memory_space<vmem_shared>>)
        tpu.yield
      }) : () -> ()
      %add3A_72 = arith.constant 0 : i32
      %add3A_73 = arith.addi %add3A_64, %add3A_72 : i32
      %add3A_74 = arith.constant 2 : i32
      %add3A_75 = arith.addi %add3A_73, %add3A_74 : i32
      %lt3A = arith.constant 40 : i32
      %lt3A_76 = arith.cmpi slt, %add3A_75, %lt3A : i32
      %convert_element_type3A = arith.extui %lt3A_76 : i1 to i32
      %cond3A = arith.constant 0 : i32
      %cond3A_77 = arith.cmpi ne, %convert_element_type3A, %cond3A : i32
      scf.if %cond3A_77 {
        %add3A_95 = arith.constant 0 : i32
        %add3A_96 = arith.addi %add3A_64, %add3A_95 : i32
        %add3A_97 = arith.constant 2 : i32
        %add3A_98 = arith.addi %add3A_96, %add3A_97 : i32
        %dma_start3A_99 = arith.constant 0 : i32
        %dma_start3A_100 = tpu.memref_slice %arg6[%add3A_98, %dma_start3A_99] : memref<40x128xi32, #tpu.memory_space<vmem>> -> memref<1x128xi32, #tpu.memory_space<vmem>>
        %dma_start3A_101 = tpu.memref_squeeze %dma_start3A_100 : memref<1x128xi32, #tpu.memory_space<vmem>> -> memref<128xi32, #tpu.memory_space<vmem>>
        %dma_start3A_102 = arith.constant 0 : i32
        %dma_start3A_103 = arith.constant 0 : i32
        %dma_start3A_104 = tpu.memref_slice %arg2[%dma_start3A_102, %dma_start3A_103] : memref<270000x128xf32, #tpu.memory_space<hbm>> -> memref<270000x128xf32, #tpu.memory_space<hbm>>
        tpu.enqueue_indirect_dma source(%dma_start3A_104 : memref<270000x128xf32, #tpu.memory_space<hbm>>) target(%arg8 : memref<128x128xf32, #tpu.memory_space<vmem>>) offsets(%dma_start3A_101 : memref<128xi32, #tpu.memory_space<vmem>>) semaphore(%arg12 : memref<!tpu.dma_semaphore, #tpu.memory_space<semaphore_mem>>)
      } else {
      }
      %dma_wait3A_78 = arith.constant 0 : i32
      %dma_wait3A_79 = arith.constant 0 : i32
      %dma_wait3A_80 = tpu.memref_slice %arg2[%dma_wait3A_78, %dma_wait3A_79] : memref<270000x128xf32, #tpu.memory_space<hbm>> -> memref<128x128xf32, #tpu.memory_space<hbm>>
      %dma_wait3A_81 = arith.constant 0 : i32
      %dma_wait3A_82 = arith.constant 0 : i32
      %dma_wait3A_83 = tpu.memref_slice %arg2[%dma_wait3A_81, %dma_wait3A_82] : memref<270000x128xf32, #tpu.memory_space<hbm>> -> memref<128x128xf32, #tpu.memory_space<hbm>>
      tpu.wait_dma2 semaphore(%arg13 : memref<!tpu.dma_semaphore, #tpu.memory_space<semaphore_mem>>) src(%dma_wait3A_83 : memref<128x128xf32, #tpu.memory_space<hbm>>) dst(%arg9 : memref<128x128xf32, #tpu.memory_space<vmem>>)
      %add3A_84 = arith.constant 1 : i32
      %add3A_85 = arith.addi %add3A_64, %add3A_84 : i32
      "tpu.region"() ({
        %run_scoped3A_95 = tpu.sem_alloc : memref<!tpu.dma_semaphore, #tpu.memory_space<semaphore_mem>>
        %dma_start3A_96 = arith.constant 0 : i32
        %dma_start3A_97 = tpu.memref_slice %arg7[%add3A_85, %dma_start3A_96] : memref<40x128xi32, #tpu.memory_space<vmem>> -> memref<1x128xi32, #tpu.memory_space<vmem>>
        %dma_start3A_98 = tpu.memref_squeeze %dma_start3A_97 : memref<1x128xi32, #tpu.memory_space<vmem>> -> memref<128xi32, #tpu.memory_space<vmem>>
        %dma_start3A_99 = arith.constant 0 : i32
        %dma_start3A_100 = arith.constant 0 : i32
        %dma_start3A_101 = tpu.memref_slice %arg11[%dma_start3A_99, %dma_start3A_100] : memref<10112x128xf32, #tpu.memory_space<vmem_shared>> -> memref<10112x128xf32, #tpu.memory_space<vmem_shared>>
        tpu.enqueue_indirect_dma source(%arg9 : memref<128x128xf32, #tpu.memory_space<vmem>>) target(%dma_start3A_101 : memref<10112x128xf32, #tpu.memory_space<vmem_shared>>) offsets(%dma_start3A_98 : memref<128xi32, #tpu.memory_space<vmem>>) semaphore(%run_scoped3A_95 : memref<!tpu.dma_semaphore, #tpu.memory_space<semaphore_mem>>) {add = true}
        %dma_wait3A_102 = arith.constant 0 : i32
        %dma_wait3A_103 = tpu.memref_slice %arg7[%add3A_85, %dma_wait3A_102] : memref<40x128xi32, #tpu.memory_space<vmem>> -> memref<1x128xi32, #tpu.memory_space<vmem>>
        %dma_wait3A_104 = tpu.memref_squeeze %dma_wait3A_103 : memref<1x128xi32, #tpu.memory_space<vmem>> -> memref<128xi32, #tpu.memory_space<vmem>>
        %dma_wait3A_105 = arith.constant 0 : i32
        %dma_wait3A_106 = arith.constant 0 : i32
        %dma_wait3A_107 = tpu.memref_slice %arg11[%dma_wait3A_105, %dma_wait3A_106] : memref<10112x128xf32, #tpu.memory_space<vmem_shared>> -> memref<10112x128xf32, #tpu.memory_space<vmem_shared>>
        tpu.wait_indirect_dma semaphore(%run_scoped3A_95 : memref<!tpu.dma_semaphore, #tpu.memory_space<semaphore_mem>>) src(%arg9 : memref<128x128xf32, #tpu.memory_space<vmem>>) dst(%dma_wait3A_107 : memref<10112x128xf32, #tpu.memory_space<vmem_shared>>)
        tpu.yield
      }) : () -> ()
      %add3A_86 = arith.constant 1 : i32
      %add3A_87 = arith.addi %add3A_64, %add3A_86 : i32
      %add3A_88 = arith.constant 2 : i32
      %add3A_89 = arith.addi %add3A_87, %add3A_88 : i32
      %lt3A_90 = arith.constant 40 : i32
      %lt3A_91 = arith.cmpi slt, %add3A_89, %lt3A_90 : i32
      %convert_element_type3A_92 = arith.extui %lt3A_91 : i1 to i32
      %cond3A_93 = arith.constant 0 : i32
      %cond3A_94 = arith.cmpi ne, %convert_element_type3A_92, %cond3A_93 : i32
      scf.if %cond3A_94 {
        %add3A_95 = arith.constant 1 : i32
        %add3A_96 = arith.addi %add3A_64, %add3A_95 : i32
        %add3A_97 = arith.constant 2 : i32
        %add3A_98 = arith.addi %add3A_96, %add3A_97 : i32
        %dma_start3A_99 = arith.constant 0 : i32
        %dma_start3A_100 = tpu.memref_slice %arg6[%add3A_98, %dma_start3A_99] : memref<40x128xi32, #tpu.memory_space<vmem>> -> memref<1x128xi32, #tpu.memory_space<vmem>>
        %dma_start3A_101 = tpu.memref_squeeze %dma_start3A_100 : memref<1x128xi32, #tpu.memory_space<vmem>> -> memref<128xi32, #tpu.memory_space<vmem>>
        %dma_start3A_102 = arith.constant 0 : i32
        %dma_start3A_103 = arith.constant 0 : i32
        %dma_start3A_104 = tpu.memref_slice %arg2[%dma_start3A_102, %dma_start3A_103] : memref<270000x128xf32, #tpu.memory_space<hbm>> -> memref<270000x128xf32, #tpu.memory_space<hbm>>
        tpu.enqueue_indirect_dma source(%dma_start3A_104 : memref<270000x128xf32, #tpu.memory_space<hbm>>) target(%arg9 : memref<128x128xf32, #tpu.memory_space<vmem>>) offsets(%dma_start3A_101 : memref<128xi32, #tpu.memory_space<vmem>>) semaphore(%arg13 : memref<!tpu.dma_semaphore, #tpu.memory_space<semaphore_mem>>)
      } else {
      }
    }
    %scan3A_33 = arith.constant 20 : i32
    %run_scoped3A_34 = arith.constant 1 : i32
    "tpu.region"() ({
      %run_scoped3A_60 = tpu.sem_alloc : memref<!tpu.dma_semaphore, #tpu.memory_space<semaphore_mem>>
      %dma_start3A_61 = arith.constant 0 : i32
      %dma_start3A_62 = arith.constant 0 : i32
      %dma_start3A_63 = arith.constant 0 : i32
      %dma_start3A_64 = tpu.memref_slice %arg3[%add3A, %dma_start3A_61, %dma_start3A_62, %dma_start3A_63] : memref<32x2x40x128xi32, #tpu.memory_space<hbm>> -> memref<1x2x40x128xi32, #tpu.memory_space<hbm>>
      %dma_start3A_65 = tpu.memref_squeeze %dma_start3A_64 : memref<1x2x40x128xi32, #tpu.memory_space<hbm>> -> memref<2x40x128xi32, #tpu.memory_space<hbm>>
      %dma_start3A_66 = arith.constant 0 : i32
      %dma_start3A_67 = arith.constant 0 : i32
      %dma_start3A_68 = tpu.memref_slice %dma_start3A_65[%run_scoped3A_34, %dma_start3A_66, %dma_start3A_67] : memref<2x40x128xi32, #tpu.memory_space<hbm>> -> memref<1x40x128xi32, #tpu.memory_space<hbm>>
      %dma_start3A_69 = tpu.memref_squeeze %dma_start3A_68 : memref<1x40x128xi32, #tpu.memory_space<hbm>> -> memref<40x128xi32, #tpu.memory_space<hbm>>
      %dma_start3A_70 = arith.constant 0 : i32
      %dma_start3A_71 = arith.constant 0 : i32
      %dma_start3A_72 = arith.constant 0 : i32
      %dma_start3A_73 = tpu.memref_slice %arg3[%add3A, %dma_start3A_70, %dma_start3A_71, %dma_start3A_72] : memref<32x2x40x128xi32, #tpu.memory_space<hbm>> -> memref<1x2x40x128xi32, #tpu.memory_space<hbm>>
      %dma_start3A_74 = tpu.memref_squeeze %dma_start3A_73 : memref<1x2x40x128xi32, #tpu.memory_space<hbm>> -> memref<2x40x128xi32, #tpu.memory_space<hbm>>
      %dma_start3A_75 = arith.constant 0 : i32
      %dma_start3A_76 = arith.constant 0 : i32
      %dma_start3A_77 = tpu.memref_slice %dma_start3A_74[%run_scoped3A_34, %dma_start3A_75, %dma_start3A_76] : memref<2x40x128xi32, #tpu.memory_space<hbm>> -> memref<1x40x128xi32, #tpu.memory_space<hbm>>
      %dma_start3A_78 = tpu.memref_squeeze %dma_start3A_77 : memref<1x40x128xi32, #tpu.memory_space<hbm>> -> memref<40x128xi32, #tpu.memory_space<hbm>>
      tpu.enqueue_dma source(%dma_start3A_78 : memref<40x128xi32, #tpu.memory_space<hbm>>) target(%arg6 : memref<40x128xi32, #tpu.memory_space<vmem>>) target_semaphore(%run_scoped3A_60 : memref<!tpu.dma_semaphore, #tpu.memory_space<semaphore_mem>>)
      %dma_wait3A = arith.constant 0 : i32
      %dma_wait3A_79 = arith.constant 0 : i32
      %dma_wait3A_80 = arith.constant 0 : i32
      %dma_wait3A_81 = tpu.memref_slice %arg3[%add3A, %dma_wait3A, %dma_wait3A_79, %dma_wait3A_80] : memref<32x2x40x128xi32, #tpu.memory_space<hbm>> -> memref<1x2x40x128xi32, #tpu.memory_space<hbm>>
      %dma_wait3A_82 = tpu.memref_squeeze %dma_wait3A_81 : memref<1x2x40x128xi32, #tpu.memory_space<hbm>> -> memref<2x40x128xi32, #tpu.memory_space<hbm>>
      %dma_wait3A_83 = arith.constant 0 : i32
      %dma_wait3A_84 = arith.constant 0 : i32
      %dma_wait3A_85 = tpu.memref_slice %dma_wait3A_82[%run_scoped3A_34, %dma_wait3A_83, %dma_wait3A_84] : memref<2x40x128xi32, #tpu.memory_space<hbm>> -> memref<1x40x128xi32, #tpu.memory_space<hbm>>
      %dma_wait3A_86 = tpu.memref_squeeze %dma_wait3A_85 : memref<1x40x128xi32, #tpu.memory_space<hbm>> -> memref<40x128xi32, #tpu.memory_space<hbm>>
      %dma_wait3A_87 = arith.constant 0 : i32
      %dma_wait3A_88 = arith.constant 0 : i32
      %dma_wait3A_89 = arith.constant 0 : i32
      %dma_wait3A_90 = tpu.memref_slice %arg3[%add3A, %dma_wait3A_87, %dma_wait3A_88, %dma_wait3A_89] : memref<32x2x40x128xi32, #tpu.memory_space<hbm>> -> memref<1x2x40x128xi32, #tpu.memory_space<hbm>>
      %dma_wait3A_91 = tpu.memref_squeeze %dma_wait3A_90 : memref<1x2x40x128xi32, #tpu.memory_space<hbm>> -> memref<2x40x128xi32, #tpu.memory_space<hbm>>
      %dma_wait3A_92 = arith.constant 0 : i32
      %dma_wait3A_93 = arith.constant 0 : i32
      %dma_wait3A_94 = tpu.memref_slice %dma_wait3A_91[%run_scoped3A_34, %dma_wait3A_92, %dma_wait3A_93] : memref<2x40x128xi32, #tpu.memory_space<hbm>> -> memref<1x40x128xi32, #tpu.memory_space<hbm>>
      %dma_wait3A_95 = tpu.memref_squeeze %dma_wait3A_94 : memref<1x40x128xi32, #tpu.memory_space<hbm>> -> memref<40x128xi32, #tpu.memory_space<hbm>>
      tpu.wait_dma2 semaphore(%run_scoped3A_60 : memref<!tpu.dma_semaphore, #tpu.memory_space<semaphore_mem>>) src(%dma_wait3A_95 : memref<40x128xi32, #tpu.memory_space<hbm>>) dst(%arg6 : memref<40x128xi32, #tpu.memory_space<vmem>>)
      tpu.yield
    }) : () -> ()
    %run_scoped3A_35 = arith.constant 1 : i32
    "tpu.region"() ({
      %run_scoped3A_60 = tpu.sem_alloc : memref<!tpu.dma_semaphore, #tpu.memory_space<semaphore_mem>>
      %dma_start3A_61 = arith.constant 0 : i32
      %dma_start3A_62 = arith.constant 0 : i32
      %dma_start3A_63 = arith.constant 0 : i32
      %dma_start3A_64 = tpu.memref_slice %arg4[%add3A, %dma_start3A_61, %dma_start3A_62, %dma_start3A_63] : memref<32x2x40x128xi32, #tpu.memory_space<hbm>> -> memref<1x2x40x128xi32, #tpu.memory_space<hbm>>
      %dma_start3A_65 = tpu.memref_squeeze %dma_start3A_64 : memref<1x2x40x128xi32, #tpu.memory_space<hbm>> -> memref<2x40x128xi32, #tpu.memory_space<hbm>>
      %dma_start3A_66 = arith.constant 0 : i32
      %dma_start3A_67 = arith.constant 0 : i32
      %dma_start3A_68 = tpu.memref_slice %dma_start3A_65[%run_scoped3A_35, %dma_start3A_66, %dma_start3A_67] : memref<2x40x128xi32, #tpu.memory_space<hbm>> -> memref<1x40x128xi32, #tpu.memory_space<hbm>>
      %dma_start3A_69 = tpu.memref_squeeze %dma_start3A_68 : memref<1x40x128xi32, #tpu.memory_space<hbm>> -> memref<40x128xi32, #tpu.memory_space<hbm>>
      %dma_start3A_70 = arith.constant 0 : i32
      %dma_start3A_71 = arith.constant 0 : i32
      %dma_start3A_72 = arith.constant 0 : i32
      %dma_start3A_73 = tpu.memref_slice %arg4[%add3A, %dma_start3A_70, %dma_start3A_71, %dma_start3A_72] : memref<32x2x40x128xi32, #tpu.memory_space<hbm>> -> memref<1x2x40x128xi32, #tpu.memory_space<hbm>>
      %dma_start3A_74 = tpu.memref_squeeze %dma_start3A_73 : memref<1x2x40x128xi32, #tpu.memory_space<hbm>> -> memref<2x40x128xi32, #tpu.memory_space<hbm>>
      %dma_start3A_75 = arith.constant 0 : i32
      %dma_start3A_76 = arith.constant 0 : i32
      %dma_start3A_77 = tpu.memref_slice %dma_start3A_74[%run_scoped3A_35, %dma_start3A_75, %dma_start3A_76] : memref<2x40x128xi32, #tpu.memory_space<hbm>> -> memref<1x40x128xi32, #tpu.memory_space<hbm>>
      %dma_start3A_78 = tpu.memref_squeeze %dma_start3A_77 : memref<1x40x128xi32, #tpu.memory_space<hbm>> -> memref<40x128xi32, #tpu.memory_space<hbm>>
      tpu.enqueue_dma source(%dma_start3A_78 : memref<40x128xi32, #tpu.memory_space<hbm>>) target(%arg7 : memref<40x128xi32, #tpu.memory_space<vmem>>) target_semaphore(%run_scoped3A_60 : memref<!tpu.dma_semaphore, #tpu.memory_space<semaphore_mem>>)
      %dma_wait3A = arith.constant 0 : i32
      %dma_wait3A_79 = arith.constant 0 : i32
      %dma_wait3A_80 = arith.constant 0 : i32
      %dma_wait3A_81 = tpu.memref_slice %arg4[%add3A, %dma_wait3A, %dma_wait3A_79, %dma_wait3A_80] : memref<32x2x40x128xi32, #tpu.memory_space<hbm>> -> memref<1x2x40x128xi32, #tpu.memory_space<hbm>>
      %dma_wait3A_82 = tpu.memref_squeeze %dma_wait3A_81 : memref<1x2x40x128xi32, #tpu.memory_space<hbm>> -> memref<2x40x128xi32, #tpu.memory_space<hbm>>
      %dma_wait3A_83 = arith.constant 0 : i32
      %dma_wait3A_84 = arith.constant 0 : i32
      %dma_wait3A_85 = tpu.memref_slice %dma_wait3A_82[%run_scoped3A_35, %dma_wait3A_83, %dma_wait3A_84] : memref<2x40x128xi32, #tpu.memory_space<hbm>> -> memref<1x40x128xi32, #tpu.memory_space<hbm>>
      %dma_wait3A_86 = tpu.memref_squeeze %dma_wait3A_85 : memref<1x40x128xi32, #tpu.memory_space<hbm>> -> memref<40x128xi32, #tpu.memory_space<hbm>>
      %dma_wait3A_87 = arith.constant 0 : i32
      %dma_wait3A_88 = arith.constant 0 : i32
      %dma_wait3A_89 = arith.constant 0 : i32
      %dma_wait3A_90 = tpu.memref_slice %arg4[%add3A, %dma_wait3A_87, %dma_wait3A_88, %dma_wait3A_89] : memref<32x2x40x128xi32, #tpu.memory_space<hbm>> -> memref<1x2x40x128xi32, #tpu.memory_space<hbm>>
      %dma_wait3A_91 = tpu.memref_squeeze %dma_wait3A_90 : memref<1x2x40x128xi32, #tpu.memory_space<hbm>> -> memref<2x40x128xi32, #tpu.memory_space<hbm>>
      %dma_wait3A_92 = arith.constant 0 : i32
      %dma_wait3A_93 = arith.constant 0 : i32
      %dma_wait3A_94 = tpu.memref_slice %dma_wait3A_91[%run_scoped3A_35, %dma_wait3A_92, %dma_wait3A_93] : memref<2x40x128xi32, #tpu.memory_space<hbm>> -> memref<1x40x128xi32, #tpu.memory_space<hbm>>
      %dma_wait3A_95 = tpu.memref_squeeze %dma_wait3A_94 : memref<1x40x128xi32, #tpu.memory_space<hbm>> -> memref<40x128xi32, #tpu.memory_space<hbm>>
      tpu.wait_dma2 semaphore(%run_scoped3A_60 : memref<!tpu.dma_semaphore, #tpu.memory_space<semaphore_mem>>) src(%dma_wait3A_95 : memref<40x128xi32, #tpu.memory_space<hbm>>) dst(%arg7 : memref<40x128xi32, #tpu.memory_space<vmem>>)
      tpu.yield
    }) : () -> ()
    %dma_start3A_36 = arith.constant 0 : i32
    %dma_start3A_37 = arith.constant 0 : i32
    %dma_start3A_38 = tpu.memref_slice %arg6[%dma_start3A_36, %dma_start3A_37] : memref<40x128xi32, #tpu.memory_space<vmem>> -> memref<1x128xi32, #tpu.memory_space<vmem>>
    %dma_start3A_39 = tpu.memref_squeeze %dma_start3A_38 : memref<1x128xi32, #tpu.memory_space<vmem>> -> memref<128xi32, #tpu.memory_space<vmem>>
    %dma_start3A_40 = arith.constant 0 : i32
    %dma_start3A_41 = arith.constant 0 : i32
    %dma_start3A_42 = tpu.memref_slice %arg2[%dma_start3A_40, %dma_start3A_41] : memref<270000x128xf32, #tpu.memory_space<hbm>> -> memref<270000x128xf32, #tpu.memory_space<hbm>>
    tpu.enqueue_indirect_dma source(%dma_start3A_42 : memref<270000x128xf32, #tpu.memory_space<hbm>>) target(%arg8 : memref<128x128xf32, #tpu.memory_space<vmem>>) offsets(%dma_start3A_39 : memref<128xi32, #tpu.memory_space<vmem>>) semaphore(%arg12 : memref<!tpu.dma_semaphore, #tpu.memory_space<semaphore_mem>>)
    %dma_start3A_43 = arith.constant 1 : i32
    %dma_start3A_44 = arith.constant 0 : i32
    %dma_start3A_45 = tpu.memref_slice %arg6[%dma_start3A_43, %dma_start3A_44] : memref<40x128xi32, #tpu.memory_space<vmem>> -> memref<1x128xi32, #tpu.memory_space<vmem>>
    %dma_start3A_46 = tpu.memref_squeeze %dma_start3A_45 : memref<1x128xi32, #tpu.memory_space<vmem>> -> memref<128xi32, #tpu.memory_space<vmem>>
    %dma_start3A_47 = arith.constant 0 : i32
    %dma_start3A_48 = arith.constant 0 : i32
    %dma_start3A_49 = tpu.memref_slice %arg2[%dma_start3A_47, %dma_start3A_48] : memref<270000x128xf32, #tpu.memory_space<hbm>> -> memref<270000x128xf32, #tpu.memory_space<hbm>>
    tpu.enqueue_indirect_dma source(%dma_start3A_49 : memref<270000x128xf32, #tpu.memory_space<hbm>>) target(%arg9 : memref<128x128xf32, #tpu.memory_space<vmem>>) offsets(%dma_start3A_46 : memref<128xi32, #tpu.memory_space<vmem>>) semaphore(%arg13 : memref<!tpu.dma_semaphore, #tpu.memory_space<semaphore_mem>>)
    %scan3A_50 = arith.constant 0 : i32
    %scan3A_51 = arith.constant 20 : i32
    %scan3A_52 = arith.addi %scan3A_50, %scan3A_51 : i32
    %scan3A_53 = arith.constant 1 : i32
    scf.for %scan3A_60 = %scan3A_50 to %scan3A_52 step %scan3A_53  : i32 {
      %mul3A_61 = arith.constant 2 : i32
      %mul3A_62 = arith.muli %scan3A_60, %mul3A_61 : i32
      %add3A_63 = arith.constant 0 : i32
      %add3A_64 = arith.addi %add3A_63, %mul3A_62 : i32
      %dma_wait3A = arith.constant 0 : i32
      %dma_wait3A_65 = arith.constant 0 : i32
      %dma_wait3A_66 = tpu.memref_slice %arg2[%dma_wait3A, %dma_wait3A_65] : memref<270000x128xf32, #tpu.memory_space<hbm>> -> memref<128x128xf32, #tpu.memory_space<hbm>>
      %dma_wait3A_67 = arith.constant 0 : i32
      %dma_wait3A_68 = arith.constant 0 : i32
      %dma_wait3A_69 = tpu.memref_slice %arg2[%dma_wait3A_67, %dma_wait3A_68] : memref<270000x128xf32, #tpu.memory_space<hbm>> -> memref<128x128xf32, #tpu.memory_space<hbm>>
      tpu.wait_dma2 semaphore(%arg12 : memref<!tpu.dma_semaphore, #tpu.memory_space<semaphore_mem>>) src(%dma_wait3A_69 : memref<128x128xf32, #tpu.memory_space<hbm>>) dst(%arg8 : memref<128x128xf32, #tpu.memory_space<vmem>>)
      %add3A_70 = arith.constant 0 : i32
      %add3A_71 = arith.addi %add3A_64, %add3A_70 : i32
      "tpu.region"() ({
        %run_scoped3A_95 = tpu.sem_alloc : memref<!tpu.dma_semaphore, #tpu.memory_space<semaphore_mem>>
        %dma_start3A_96 = arith.constant 0 : i32
        %dma_start3A_97 = tpu.memref_slice %arg7[%add3A_71, %dma_start3A_96] : memref<40x128xi32, #tpu.memory_space<vmem>> -> memref<1x128xi32, #tpu.memory_space<vmem>>
        %dma_start3A_98 = tpu.memref_squeeze %dma_start3A_97 : memref<1x128xi32, #tpu.memory_space<vmem>> -> memref<128xi32, #tpu.memory_space<vmem>>
        %dma_start3A_99 = arith.constant 0 : i32
        %dma_start3A_100 = arith.constant 0 : i32
        %dma_start3A_101 = tpu.memref_slice %arg11[%dma_start3A_99, %dma_start3A_100] : memref<10112x128xf32, #tpu.memory_space<vmem_shared>> -> memref<10112x128xf32, #tpu.memory_space<vmem_shared>>
        tpu.enqueue_indirect_dma source(%arg8 : memref<128x128xf32, #tpu.memory_space<vmem>>) target(%dma_start3A_101 : memref<10112x128xf32, #tpu.memory_space<vmem_shared>>) offsets(%dma_start3A_98 : memref<128xi32, #tpu.memory_space<vmem>>) semaphore(%run_scoped3A_95 : memref<!tpu.dma_semaphore, #tpu.memory_space<semaphore_mem>>) {add = true}
        %dma_wait3A_102 = arith.constant 0 : i32
        %dma_wait3A_103 = tpu.memref_slice %arg7[%add3A_71, %dma_wait3A_102] : memref<40x128xi32, #tpu.memory_space<vmem>> -> memref<1x128xi32, #tpu.memory_space<vmem>>
        %dma_wait3A_104 = tpu.memref_squeeze %dma_wait3A_103 : memref<1x128xi32, #tpu.memory_space<vmem>> -> memref<128xi32, #tpu.memory_space<vmem>>
        %dma_wait3A_105 = arith.constant 0 : i32
        %dma_wait3A_106 = arith.constant 0 : i32
        %dma_wait3A_107 = tpu.memref_slice %arg11[%dma_wait3A_105, %dma_wait3A_106] : memref<10112x128xf32, #tpu.memory_space<vmem_shared>> -> memref<10112x128xf32, #tpu.memory_space<vmem_shared>>
        tpu.wait_indirect_dma semaphore(%run_scoped3A_95 : memref<!tpu.dma_semaphore, #tpu.memory_space<semaphore_mem>>) src(%arg8 : memref<128x128xf32, #tpu.memory_space<vmem>>) dst(%dma_wait3A_107 : memref<10112x128xf32, #tpu.memory_space<vmem_shared>>)
        tpu.yield
      }) : () -> ()
      %add3A_72 = arith.constant 0 : i32
      %add3A_73 = arith.addi %add3A_64, %add3A_72 : i32
      %add3A_74 = arith.constant 2 : i32
      %add3A_75 = arith.addi %add3A_73, %add3A_74 : i32
      %lt3A = arith.constant 40 : i32
      %lt3A_76 = arith.cmpi slt, %add3A_75, %lt3A : i32
      %convert_element_type3A = arith.extui %lt3A_76 : i1 to i32
      %cond3A = arith.constant 0 : i32
      %cond3A_77 = arith.cmpi ne, %convert_element_type3A, %cond3A : i32
      scf.if %cond3A_77 {
        %add3A_95 = arith.constant 0 : i32
        %add3A_96 = arith.addi %add3A_64, %add3A_95 : i32
        %add3A_97 = arith.constant 2 : i32
        %add3A_98 = arith.addi %add3A_96, %add3A_97 : i32
        %dma_start3A_99 = arith.constant 0 : i32
        %dma_start3A_100 = tpu.memref_slice %arg6[%add3A_98, %dma_start3A_99] : memref<40x128xi32, #tpu.memory_space<vmem>> -> memref<1x128xi32, #tpu.memory_space<vmem>>
        %dma_start3A_101 = tpu.memref_squeeze %dma_start3A_100 : memref<1x128xi32, #tpu.memory_space<vmem>> -> memref<128xi32, #tpu.memory_space<vmem>>
        %dma_start3A_102 = arith.constant 0 : i32
        %dma_start3A_103 = arith.constant 0 : i32
        %dma_start3A_104 = tpu.memref_slice %arg2[%dma_start3A_102, %dma_start3A_103] : memref<270000x128xf32, #tpu.memory_space<hbm>> -> memref<270000x128xf32, #tpu.memory_space<hbm>>
        tpu.enqueue_indirect_dma source(%dma_start3A_104 : memref<270000x128xf32, #tpu.memory_space<hbm>>) target(%arg8 : memref<128x128xf32, #tpu.memory_space<vmem>>) offsets(%dma_start3A_101 : memref<128xi32, #tpu.memory_space<vmem>>) semaphore(%arg12 : memref<!tpu.dma_semaphore, #tpu.memory_space<semaphore_mem>>)
      } else {
      }
      %dma_wait3A_78 = arith.constant 0 : i32
      %dma_wait3A_79 = arith.constant 0 : i32
      %dma_wait3A_80 = tpu.memref_slice %arg2[%dma_wait3A_78, %dma_wait3A_79] : memref<270000x128xf32, #tpu.memory_space<hbm>> -> memref<128x128xf32, #tpu.memory_space<hbm>>
      %dma_wait3A_81 = arith.constant 0 : i32
      %dma_wait3A_82 = arith.constant 0 : i32
      %dma_wait3A_83 = tpu.memref_slice %arg2[%dma_wait3A_81, %dma_wait3A_82] : memref<270000x128xf32, #tpu.memory_space<hbm>> -> memref<128x128xf32, #tpu.memory_space<hbm>>
      tpu.wait_dma2 semaphore(%arg13 : memref<!tpu.dma_semaphore, #tpu.memory_space<semaphore_mem>>) src(%dma_wait3A_83 : memref<128x128xf32, #tpu.memory_space<hbm>>) dst(%arg9 : memref<128x128xf32, #tpu.memory_space<vmem>>)
      %add3A_84 = arith.constant 1 : i32
      %add3A_85 = arith.addi %add3A_64, %add3A_84 : i32
      "tpu.region"() ({
        %run_scoped3A_95 = tpu.sem_alloc : memref<!tpu.dma_semaphore, #tpu.memory_space<semaphore_mem>>
        %dma_start3A_96 = arith.constant 0 : i32
        %dma_start3A_97 = tpu.memref_slice %arg7[%add3A_85, %dma_start3A_96] : memref<40x128xi32, #tpu.memory_space<vmem>> -> memref<1x128xi32, #tpu.memory_space<vmem>>
        %dma_start3A_98 = tpu.memref_squeeze %dma_start3A_97 : memref<1x128xi32, #tpu.memory_space<vmem>> -> memref<128xi32, #tpu.memory_space<vmem>>
        %dma_start3A_99 = arith.constant 0 : i32
        %dma_start3A_100 = arith.constant 0 : i32
        %dma_start3A_101 = tpu.memref_slice %arg11[%dma_start3A_99, %dma_start3A_100] : memref<10112x128xf32, #tpu.memory_space<vmem_shared>> -> memref<10112x128xf32, #tpu.memory_space<vmem_shared>>
        tpu.enqueue_indirect_dma source(%arg9 : memref<128x128xf32, #tpu.memory_space<vmem>>) target(%dma_start3A_101 : memref<10112x128xf32, #tpu.memory_space<vmem_shared>>) offsets(%dma_start3A_98 : memref<128xi32, #tpu.memory_space<vmem>>) semaphore(%run_scoped3A_95 : memref<!tpu.dma_semaphore, #tpu.memory_space<semaphore_mem>>) {add = true}
        %dma_wait3A_102 = arith.constant 0 : i32
        %dma_wait3A_103 = tpu.memref_slice %arg7[%add3A_85, %dma_wait3A_102] : memref<40x128xi32, #tpu.memory_space<vmem>> -> memref<1x128xi32, #tpu.memory_space<vmem>>
        %dma_wait3A_104 = tpu.memref_squeeze %dma_wait3A_103 : memref<1x128xi32, #tpu.memory_space<vmem>> -> memref<128xi32, #tpu.memory_space<vmem>>
        %dma_wait3A_105 = arith.constant 0 : i32
        %dma_wait3A_106 = arith.constant 0 : i32
        %dma_wait3A_107 = tpu.memref_slice %arg11[%dma_wait3A_105, %dma_wait3A_106] : memref<10112x128xf32, #tpu.memory_space<vmem_shared>> -> memref<10112x128xf32, #tpu.memory_space<vmem_shared>>
        tpu.wait_indirect_dma semaphore(%run_scoped3A_95 : memref<!tpu.dma_semaphore, #tpu.memory_space<semaphore_mem>>) src(%arg9 : memref<128x128xf32, #tpu.memory_space<vmem>>) dst(%dma_wait3A_107 : memref<10112x128xf32, #tpu.memory_space<vmem_shared>>)
        tpu.yield
      }) : () -> ()
      %add3A_86 = arith.constant 1 : i32
      %add3A_87 = arith.addi %add3A_64, %add3A_86 : i32
      %add3A_88 = arith.constant 2 : i32
      %add3A_89 = arith.addi %add3A_87, %add3A_88 : i32
      %lt3A_90 = arith.constant 40 : i32
      %lt3A_91 = arith.cmpi slt, %add3A_89, %lt3A_90 : i32
      %convert_element_type3A_92 = arith.extui %lt3A_91 : i1 to i32
      %cond3A_93 = arith.constant 0 : i32
      %cond3A_94 = arith.cmpi ne, %convert_element_type3A_92, %cond3A_93 : i32
      scf.if %cond3A_94 {
        %add3A_95 = arith.constant 1 : i32
        %add3A_96 = arith.addi %add3A_64, %add3A_95 : i32
        %add3A_97 = arith.constant 2 : i32
        %add3A_98 = arith.addi %add3A_96, %add3A_97 : i32
        %dma_start3A_99 = arith.constant 0 : i32
        %dma_start3A_100 = tpu.memref_slice %arg6[%add3A_98, %dma_start3A_99] : memref<40x128xi32, #tpu.memory_space<vmem>> -> memref<1x128xi32, #tpu.memory_space<vmem>>
        %dma_start3A_101 = tpu.memref_squeeze %dma_start3A_100 : memref<1x128xi32, #tpu.memory_space<vmem>> -> memref<128xi32, #tpu.memory_space<vmem>>
        %dma_start3A_102 = arith.constant 0 : i32
        %dma_start3A_103 = arith.constant 0 : i32
        %dma_start3A_104 = tpu.memref_slice %arg2[%dma_start3A_102, %dma_start3A_103] : memref<270000x128xf32, #tpu.memory_space<hbm>> -> memref<270000x128xf32, #tpu.memory_space<hbm>>
        tpu.enqueue_indirect_dma source(%dma_start3A_104 : memref<270000x128xf32, #tpu.memory_space<hbm>>) target(%arg9 : memref<128x128xf32, #tpu.memory_space<vmem>>) offsets(%dma_start3A_101 : memref<128xi32, #tpu.memory_space<vmem>>) semaphore(%arg13 : memref<!tpu.dma_semaphore, #tpu.memory_space<semaphore_mem>>)
      } else {
      }
    }
    %scan3A_54 = arith.constant 20 : i32
    %barrier3A_55 = arith.constant 0 : index
    tpu.barrier barrier_id(%barrier3A_55)
    %mul3A_56 = arith.constant 632 : i32
    %mul3A_57 = arith.muli %arg1, %mul3A_56 : i32
    %mul3A_58 = arith.constant 632 : i32
    %mul3A_59 = arith.muli %arg1, %mul3A_58 : i32
    "tpu.region"() ({
      %run_scoped3A_60 = tpu.sem_alloc : memref<!tpu.dma_semaphore, #tpu.memory_space<semaphore_mem>>
      %dma_start3A_61 = arith.constant 0 : i32
      %dma_start3A_62 = arith.constant 0 : i32
      %dma_start3A_63 = tpu.memref_slice %arg5[%arg0, %dma_start3A_61, %dma_start3A_62] : memref<2x10112x128xf32, #tpu.memory_space<hbm>> -> memref<1x10112x128xf32, #tpu.memory_space<hbm>>
      %dma_start3A_64 = tpu.memref_squeeze %dma_start3A_63 : memref<1x10112x128xf32, #tpu.memory_space<hbm>> -> memref<10112x128xf32, #tpu.memory_space<hbm>>
      %dma_start3A_65 = arith.constant 0 : i32
      %dma_start3A_66 = tpu.memref_slice %dma_start3A_64[%mul3A_59, %dma_start3A_65] : memref<10112x128xf32, #tpu.memory_space<hbm>> -> memref<632x128xf32, #tpu.memory_space<hbm>>
      %dma_start3A_67 = arith.constant 0 : i32
      %dma_start3A_68 = tpu.memref_slice %arg11[%mul3A_57, %dma_start3A_67] : memref<10112x128xf32, #tpu.memory_space<vmem_shared>> -> memref<632x128xf32, #tpu.memory_space<vmem_shared>>
      tpu.enqueue_dma source(%dma_start3A_68 : memref<632x128xf32, #tpu.memory_space<vmem_shared>>) target(%dma_start3A_66 : memref<632x128xf32, #tpu.memory_space<hbm>>) target_semaphore(%run_scoped3A_60 : memref<!tpu.dma_semaphore, #tpu.memory_space<semaphore_mem>>)
      %dma_wait3A = arith.constant 0 : i32
      %dma_wait3A_69 = arith.constant 0 : i32
      %dma_wait3A_70 = tpu.memref_slice %arg5[%arg0, %dma_wait3A, %dma_wait3A_69] : memref<2x10112x128xf32, #tpu.memory_space<hbm>> -> memref<1x10112x128xf32, #tpu.memory_space<hbm>>
      %dma_wait3A_71 = tpu.memref_squeeze %dma_wait3A_70 : memref<1x10112x128xf32, #tpu.memory_space<hbm>> -> memref<10112x128xf32, #tpu.memory_space<hbm>>
      %dma_wait3A_72 = arith.constant 0 : i32
      %dma_wait3A_73 = tpu.memref_slice %dma_wait3A_71[%mul3A_59, %dma_wait3A_72] : memref<10112x128xf32, #tpu.memory_space<hbm>> -> memref<632x128xf32, #tpu.memory_space<hbm>>
      %dma_wait3A_74 = arith.constant 0 : i32
      %dma_wait3A_75 = tpu.memref_slice %arg11[%mul3A_57, %dma_wait3A_74] : memref<10112x128xf32, #tpu.memory_space<vmem_shared>> -> memref<632x128xf32, #tpu.memory_space<vmem_shared>>
      tpu.wait_dma2 semaphore(%run_scoped3A_60 : memref<!tpu.dma_semaphore, #tpu.memory_space<semaphore_mem>>) src(%dma_wait3A_75 : memref<632x128xf32, #tpu.memory_space<vmem_shared>>) dst(%dma_wait3A_73 : memref<632x128xf32, #tpu.memory_space<hbm>>)
      tpu.yield
    }) : () -> ()
    return
  }
}

module attributes {stable_mosaic.version = 14 : i64} {
  func.func @_matmul_body(%arg0: i32, %arg1: memref<10000x128xf32, #tpu.memory_space<vmem>>, %arg2: memref<1x128x128xf32, #tpu.memory_space<vmem>>, %arg3: memref<2500x128xi32, #tpu.memory_space<vmem>>, %arg4: memref<2500x128xi32, #tpu.memory_space<vmem>>, %arg5: memref<2500x128xi32, #tpu.memory_space<vmem>>, %arg6: memref<10000x128xf32, #tpu.memory_space<vmem>>, %arg7: memref<2560x128xi32, #tpu.memory_space<vmem>>, %arg8: memref<2560x128xi32, #tpu.memory_space<vmem>>) attributes {dimension_semantics = [#tpu.dimension_semantics<parallel>], iteration_bounds = array<i64: 27>, scalar_prefetch = 0 : i64, scratch_operands = 0 : i64, tpu.core_type = #tpu.core_type<tc>, window_params = [{pipeline_mode = #tpu.pipeline_mode<synchronous>, transform_indices = @transform_0, window_bounds = array<i64: 10000, 128>}, {transform_indices = @transform_1, window_bounds = array<i64: 1, 128, 128>}, {pipeline_mode = #tpu.pipeline_mode<synchronous>, transform_indices = @transform_2, window_bounds = array<i64: 2500, 128>}, {pipeline_mode = #tpu.pipeline_mode<synchronous>, transform_indices = @transform_3, window_bounds = array<i64: 2500, 128>}, {pipeline_mode = #tpu.pipeline_mode<synchronous>, transform_indices = @transform_4, window_bounds = array<i64: 2500, 128>}, {transform_indices = @transform_5, window_bounds = array<i64: 10000, 128>}, {pipeline_mode = #tpu.pipeline_mode<synchronous>, transform_indices = @transform_6, window_bounds = array<i64: 2560, 128>}, {pipeline_mode = #tpu.pipeline_mode<synchronous>, transform_indices = @transform_7, window_bounds = array<i64: 2560, 128>}]} {
    %get3A = arith.constant 0 : index
    %get3A_0 = arith.constant 0 : index
    %get3A_1 = vector.load %arg1[%get3A, %get3A_0] : memref<10000x128xf32, #tpu.memory_space<vmem>>, vector<10000x128xf32>
    %get3A_2 = arith.constant 0 : index
    %get3A_3 = arith.constant 0 : index
    %get3A_4 = arith.constant 0 : index
    %get3A_5 = vector.load %arg2[%get3A_2, %get3A_3, %get3A_4] : memref<1x128x128xf32, #tpu.memory_space<vmem>>, vector<1x128x128xf32>
    %get3A_6 = vector.shape_cast %get3A_5 : vector<1x128x128xf32> to vector<128x128xf32>
    %dot_general3A = arith.constant dense<0.000000e+00> : vector<10000x128xf32>
    %dot_general3A_7 = tpu.matmul %get3A_1, %get3A_6, %dot_general3A {dimension_numbers = #tpu.dot_dimension_numbers<[1], [0], [0], [1], [0, 0, 1, 1], [], []>, transpose_lhs_hint = false} : vector<10000x128xf32>, vector<128x128xf32>, vector<10000x128xf32> -> vector<10000x128xf32>
    %swap3A = arith.constant 0 : index
    %swap3A_8 = arith.constant 0 : index
    %swap3A_9 = vector.load %arg6[%swap3A, %swap3A_8] : memref<10000x128xf32, #tpu.memory_space<vmem>>, vector<10000x128xf32>
    tpu.vector_store %arg6[%swap3A, %swap3A_8], %dot_general3A_7 {strides = array<i32>} : memref<10000x128xf32, #tpu.memory_space<vmem>>, vector<10000x128xf32>,
    %eq3A = arith.constant 0 : i32
    %eq3A_10 = arith.cmpi eq, %arg0, %eq3A : i32
    %convert_element_type3A = arith.extui %eq3A_10 : i1 to i32
    %cond3A = arith.constant 0 : i32
    %cond3A_11 = arith.cmpi ne, %convert_element_type3A, %cond3A : i32
    scf.if %cond3A_11 {
      %get3A_12 = arith.constant 0 : index
      %get3A_13 = arith.constant 0 : index
      %get3A_14 = vector.load %arg5[%get3A_12, %get3A_13] : memref<2500x128xi32, #tpu.memory_space<vmem>>, vector<2500x128xi32>
      %mul3A = arith.constant 10000 : i32
      %mul3A_15 = vector.broadcast %mul3A : i32 to vector<2500x128xi32>
      %mul3A_16 = arith.muli %get3A_14, %mul3A_15 : vector<2500x128xi32>
      %get3A_17 = arith.constant 0 : index
      %get3A_18 = arith.constant 0 : index
      %get3A_19 = vector.load %arg3[%get3A_17, %get3A_18] : memref<2500x128xi32, #tpu.memory_space<vmem>>, vector<2500x128xi32>
      %add3A = arith.addi %mul3A_16, %get3A_19 : vector<2500x128xi32>
      %swap3A_20 = arith.constant 0 : index
      %swap3A_21 = arith.constant 0 : index
      %swap3A_22 = vector.load %arg7[%swap3A_20, %swap3A_21] : memref<2560x128xi32, #tpu.memory_space<vmem>>, vector<2500x128xi32>
      tpu.vector_store %arg7[%swap3A_20, %swap3A_21], %add3A {strides = array<i32>} : memref<2560x128xi32, #tpu.memory_space<vmem>>, vector<2500x128xi32>,
      %get3A_23 = arith.constant 0 : index
      %get3A_24 = arith.constant 0 : index
      %get3A_25 = vector.load %arg4[%get3A_23, %get3A_24] : memref<2500x128xi32, #tpu.memory_space<vmem>>, vector<2500x128xi32>
      %swap3A_26 = arith.constant 0 : index
      %swap3A_27 = arith.constant 0 : index
      %swap3A_28 = vector.load %arg8[%swap3A_26, %swap3A_27] : memref<2560x128xi32, #tpu.memory_space<vmem>>, vector<2500x128xi32>
      tpu.vector_store %arg8[%swap3A_26, %swap3A_27], %get3A_25 {strides = array<i32>} : memref<2560x128xi32, #tpu.memory_space<vmem>>, vector<2500x128xi32>,
      %iota3A = tpu.iota {dimensions = array<i32: 0>} : vector<60x128xi32>
      %mul3A_29 = arith.constant 128 : i32
      %mul3A_30 = vector.broadcast %mul3A_29 : i32 to vector<60x128xi32>
      %mul3A_31 = arith.muli %iota3A, %mul3A_30 : vector<60x128xi32>
      %iota3A_32 = tpu.iota {dimensions = array<i32: 1>} : vector<60x128xi32>
      %add3A_33 = arith.addi %mul3A_31, %iota3A_32 : vector<60x128xi32>
      %jit3A = arith.constant 270000 : i32
      %eq3A_34 = arith.constant 0 : i32
      %eq3A_35 = arith.cmpi eq, %jit3A, %eq3A_34 : i32
      %jit3A_36 = arith.constant 1 : i32
      %select_n3A = arith.select %eq3A_35, %jit3A_36, %jit3A : i32
      %rem3A = vector.broadcast %select_n3A : i32 to vector<60x128xi32>
      %rem3A_37 = arith.remsi %add3A_33, %rem3A : vector<60x128xi32>
      %ne3A = arith.constant 0 : i32
      %ne3A_38 = vector.broadcast %ne3A : i32 to vector<60x128xi32>
      %ne3A_39 = arith.cmpi ne, %rem3A_37, %ne3A_38 : vector<60x128xi32>
      %lt3A = arith.constant 0 : i32
      %lt3A_40 = vector.broadcast %lt3A : i32 to vector<60x128xi32>
      %lt3A_41 = arith.cmpi slt, %rem3A_37, %lt3A_40 : vector<60x128xi32>
      %lt3A_42 = arith.constant 0 : i32
      %lt3A_43 = arith.cmpi slt, %select_n3A, %lt3A_42 : i32
      %ne3A_44 = vector.broadcast %lt3A_43 : i1 to vector<60x128xi1>
      %ne3A_45 = vector.broadcast %ne3A_44 : vector<60x128xi1> to vector<60x128xi1>
      %ne3A_46 = arith.xori %lt3A_41, %ne3A_45 : vector<60x128xi1>
      %and3A = arith.andi %ne3A_46, %ne3A_39 : vector<60x128xi1>
      %add3A_47 = vector.broadcast %select_n3A : i32 to vector<60x128xi32>
      %add3A_48 = arith.addi %rem3A_37, %add3A_47 : vector<60x128xi32>
      %select_n3A_49 = arith.select %and3A, %add3A_48, %rem3A_37 : vector<60x128xi1>, vector<60x128xi32>
      %swap3A_50 = arith.constant 2500 : index
      %swap3A_51 = arith.constant 0 : index
      %swap3A_52 = vector.load %arg7[%swap3A_50, %swap3A_51] : memref<2560x128xi32, #tpu.memory_space<vmem>>, vector<60x128xi32>
      tpu.vector_store %arg7[%swap3A_50, %swap3A_51], %select_n3A_49 {strides = array<i32>} : memref<2560x128xi32, #tpu.memory_space<vmem>>, vector<60x128xi32>,
      %jit3A_53 = arith.constant 112 : i32
      %eq3A_54 = arith.constant 0 : i32
      %eq3A_55 = arith.cmpi eq, %jit3A_53, %eq3A_54 : i32
      %jit3A_56 = arith.constant 1 : i32
      %select_n3A_57 = arith.select %eq3A_55, %jit3A_56, %jit3A_53 : i32
      %rem3A_58 = vector.broadcast %select_n3A_57 : i32 to vector<60x128xi32>
      %rem3A_59 = arith.remsi %add3A_33, %rem3A_58 : vector<60x128xi32>
      %ne3A_60 = arith.constant 0 : i32
      %ne3A_61 = vector.broadcast %ne3A_60 : i32 to vector<60x128xi32>
      %ne3A_62 = arith.cmpi ne, %rem3A_59, %ne3A_61 : vector<60x128xi32>
      %lt3A_63 = arith.constant 0 : i32
      %lt3A_64 = vector.broadcast %lt3A_63 : i32 to vector<60x128xi32>
      %lt3A_65 = arith.cmpi slt, %rem3A_59, %lt3A_64 : vector<60x128xi32>
      %lt3A_66 = arith.constant 0 : i32
      %lt3A_67 = arith.cmpi slt, %select_n3A_57, %lt3A_66 : i32
      %ne3A_68 = vector.broadcast %lt3A_67 : i1 to vector<60x128xi1>
      %ne3A_69 = vector.broadcast %ne3A_68 : vector<60x128xi1> to vector<60x128xi1>
      %ne3A_70 = arith.xori %lt3A_65, %ne3A_69 : vector<60x128xi1>
      %and3A_71 = arith.andi %ne3A_70, %ne3A_62 : vector<60x128xi1>
      %add3A_72 = vector.broadcast %select_n3A_57 : i32 to vector<60x128xi32>
      %add3A_73 = arith.addi %rem3A_59, %add3A_72 : vector<60x128xi32>
      %select_n3A_74 = arith.select %and3A_71, %add3A_73, %rem3A_59 : vector<60x128xi1>, vector<60x128xi32>
      %add3A_75 = arith.constant 10000 : i32
      %add3A_76 = vector.broadcast %add3A_75 : i32 to vector<60x128xi32>
      %add3A_77 = arith.addi %add3A_76, %select_n3A_74 : vector<60x128xi32>
      %swap3A_78 = arith.constant 2500 : index
      %swap3A_79 = arith.constant 0 : index
      %swap3A_80 = vector.load %arg8[%swap3A_78, %swap3A_79] : memref<2560x128xi32, #tpu.memory_space<vmem>>, vector<60x128xi32>
      tpu.vector_store %arg8[%swap3A_78, %swap3A_79], %add3A_77 {strides = array<i32>} : memref<2560x128xi32, #tpu.memory_space<vmem>>, vector<60x128xi32>,
    } else {
    }
    return
  }
  func.func @transform_0(%arg0: i32) -> (i32, i32) {
    %c0_i32 = arith.constant 0 : i32
    %c0_i32_0 = arith.constant 0 : i32
    %c0_i32_1 = arith.constant 0 : i32
    return %c0_i32, %c0_i32_0 : i32, i32
  }
  func.func @transform_1(%arg0: i32) -> (i32, i32, i32) {
    %c0_i32 = arith.constant 0 : i32
    %c0_i32_0 = arith.constant 0 : i32
    %c0_i32_1 = arith.constant 0 : i32
    return %arg0, %c0_i32, %c0_i32_0 : i32, i32, i32
  }
  func.func @transform_2(%arg0: i32) -> (i32, i32) {
    %c0_i32 = arith.constant 0 : i32
    %c0_i32_0 = arith.constant 0 : i32
    %c0_i32_1 = arith.constant 0 : i32
    return %c0_i32, %c0_i32_0 : i32, i32
  }
  func.func @transform_3(%arg0: i32) -> (i32, i32) {
    %c0_i32 = arith.constant 0 : i32
    %c0_i32_0 = arith.constant 0 : i32
    %c0_i32_1 = arith.constant 0 : i32
    return %c0_i32, %c0_i32_0 : i32, i32
  }
  func.func @transform_4(%arg0: i32) -> (i32, i32) {
    %c0_i32 = arith.constant 0 : i32
    %c0_i32_0 = arith.constant 0 : i32
    %c0_i32_1 = arith.constant 0 : i32
    return %c0_i32, %c0_i32_0 : i32, i32
  }
  func.func @transform_5(%arg0: i32) -> (i32, i32) {
    %c0_i32 = arith.constant 0 : i32
    %c0_i32_0 = arith.constant 0 : i32
    return %arg0, %c0_i32 : i32, i32
  }
  func.func @transform_6(%arg0: i32) -> (i32, i32) {
    %c0_i32 = arith.constant 0 : i32
    %c0_i32_0 = arith.constant 0 : i32
    %c0_i32_1 = arith.constant 0 : i32
    return %c0_i32, %c0_i32_0 : i32, i32
  }
  func.func @transform_7(%arg0: i32) -> (i32, i32) {
    %c0_i32 = arith.constant 0 : i32
    %c0_i32_0 = arith.constant 0 : i32
    %c0_i32_1 = arith.constant 0 : i32
    return %c0_i32, %c0_i32_0 : i32, i32
  }
}

module attributes {stable_mosaic.version = 14 : i64} {
  func.func @_add_body(%arg0: i32, %arg1: memref<2x2000x128xf32, #tpu.memory_space<vmem>>, %arg2: memref<2000x128xf32, #tpu.memory_space<vmem>>) attributes {dimension_semantics = [#tpu.dimension_semantics<arbitrary>], iteration_bounds = array<i64: 5>, scalar_prefetch = 0 : i64, scratch_operands = 0 : i64, tpu.core_type = #tpu.core_type<tc>, window_params = [{transform_indices = @transform_0, window_bounds = array<i64: 2, 2000, 128>}, {transform_indices = @transform_1, window_bounds = array<i64: 2000, 128>}]} {
    %get3A = arith.constant 0 : index
    %get3A_0 = arith.constant 0 : index
    %get3A_1 = arith.constant 0 : index
    %get3A_2 = vector.load %arg1[%get3A, %get3A_0, %get3A_1] : memref<2x2000x128xf32, #tpu.memory_space<vmem>>, vector<1x2000x128xf32>
    %get3A_3 = vector.shape_cast %get3A_2 : vector<1x2000x128xf32> to vector<2000x128xf32>
    %get3A_4 = arith.constant 1 : index
    %get3A_5 = arith.constant 0 : index
    %get3A_6 = arith.constant 0 : index
    %get3A_7 = vector.load %arg1[%get3A_4, %get3A_5, %get3A_6] : memref<2x2000x128xf32, #tpu.memory_space<vmem>>, vector<1x2000x128xf32>
    %get3A_8 = vector.shape_cast %get3A_7 : vector<1x2000x128xf32> to vector<2000x128xf32>
    %add3A = arith.addf %get3A_3, %get3A_8 : vector<2000x128xf32>
    %swap3A = arith.constant 0 : index
    %swap3A_9 = arith.constant 0 : index
    %swap3A_10 = vector.load %arg2[%swap3A, %swap3A_9] : memref<2000x128xf32, #tpu.memory_space<vmem>>, vector<2000x128xf32>
    tpu.vector_store %arg2[%swap3A, %swap3A_9], %add3A {strides = array<i32>} : memref<2000x128xf32, #tpu.memory_space<vmem>>, vector<2000x128xf32>,
    return
  }
  func.func @transform_0(%arg0: i32) -> (i32, i32, i32) {
    %c0_i32 = arith.constant 0 : i32
    %c0_i32_0 = arith.constant 0 : i32
    %c0_i32_1 = arith.constant 0 : i32
    return %c0_i32, %arg0, %c0_i32_0 : i32, i32, i32
  }
  func.func @transform_1(%arg0: i32) -> (i32, i32) {
    %c0_i32 = arith.constant 0 : i32
    %c0_i32_0 = arith.constant 0 : i32
    return %arg0, %c0_i32 : i32, i32
  }
}

</mosaic_0001>

<sc_bundles>
// kernel: kernel.6.cloned.1.call-start
scs
__scs_entry_jumppad:
0x0: {  	(pc) =	sbr.rel $0x88, $3  }
0x1: {  	(tag) =	ssettag $0x0;
	lr =	simm.s32 $0x1  }
0x2: {  	[smem:$0x3F9D] =	sst lr;
	_ =	strace $0xD0000000  }
0x3: {  	_ = 	snop  }
0x4: {  	_ = 	snop  }
0x5: {  	_ = 	snop  }
0x6: {  	_ = 	snop  }
0x7: {  	_ = 	snop  }
__scs_overlays_trampoline_lowered:
0x8: {  	[smem:$0x3FAC] =	sst s0  }
0x9: {  	[smem:$0x3FAD] =	sst s1  }
0xa: {  	[smem:$0x3FAE] =	sst s2  }
0xb: {  	[smem:$0x3FAF] =	sst s3  }
0xc: {  	[smem:$0x3FB0] =	sst s4  }
0xd: {  	[smem:$0x3FB1] =	sst s5  }
0xe: {  	[smem:$0x3FB2] =	sst s6  }
0xf: {  	[smem:$0x3FB3] =	sst s7  }
0x10: {  	[smem:$0x3FB4] =	sst s8  }
0x11: {  	[smem:$0x3FB5] =	sst s9;
	s0 =	simm.s32 @!p0 $0x0  }
0x12: {  	s1 =	sld [smem:$0x3F9B];
	s0 =	simm.s32 @p0 $0x1  }
0x13: {  	[smem:$0x3FB6] =	sst s0;
	s0 =	simm.s32 @!p1 $0x0  }
0x14: {  	s2 =	sld [smem:$0x3F9A];
	s0 =	simm.s32 @p1 $0x1  }
0x15: {  	[smem:$0x3FB7] =	sst s0;
	s0 =	simm.s32 @!p2 $0x0  }
0x16: {  	s3 =	sld [smem:$0x3FDB];
	s0 =	simm.s32 @p2 $0x1  }
0x17: {  	s4 =	simm.s32 $0x1BF5;
	[smem:$0x3FB9] =	sst s0  }
0x18: {  	s0 =	sld [smem:$0x3F9C];
	_ =	swait.ge [sflag:s4], $0x0  }
0x19: {  	s7 =	sld [smem:$0x3F9D]  }
0x1a: {  	s8 =	sadd.s32 $0xFFFFE003, lr  }
0x1b: {  	s9 =	sadd.s32 $0xFFFFFEF7, lr;
	s5 =	simm.s32 $0xFFFFFFFF;
	p2 =	slt.u32 s8, $0xFFFFF086  }
0x1c: {  	p1 =	slt.u32 s9, $0xF7A;
	s5 =	simm.s32 @!p2 $0x0  }
0x1d: {  	s5 =	simm.s32 @p1 $0x1;
	p0 =	seq.s32 s7, s2  }
0x1e: {  	s7 =	smul.u32 @!p0 $0xF7A, s2;
	p2 =	seq.s32 @!p0 s5, $0x0  }
0x1f: {  	s9 =	smul.u32 $0xF7A, s1;
	s8 =	simm.s32 @!p0 $0x1BF5;
	p2 =	por !p2, p0  }
0x20: {  	[sflag:s8] =	ssyncset.s32 @!p0 $0xFFFFF086;
	s6 =	sadd.s32 @!p0 s3, s7;
	s7 =	simm.s32 @!p0 $0x108  }
0x21: {  	s3 =	sadd.s32 s3, s9;
	s6 =	sadd.s32 @!p0 $0x88, s6;
	s7 =	simm.s32 @p2 $0x1082  }
0x22: {  	[simem:s7], [sflag:s8] =	dma.local @!p0 [hbm:s6], $0xF7A  }
0x23: {  	s9 =	sor.u32 $0xD0000000, s2;
	s6 =	simm.s32 $0x108;
	_ =	swait.ge @!p0 [sflag:s8], $0x0  }
0x24: {  	s3 =	sadd.s32 $0x88, s3;
	s6 =	simm.s32 @!p1 $0x1082;
	[sflag:s4] =	ssyncset.s32 $0xFFFFF086  }
0x25: {  	[simem:s6], [sflag:s4] =	dma.local [hbm:s3], $0xF7A  }
0x26: {  	[smem:$0x3F9D] =	sst s1;
	(tag) =	ssettag s2;
	_ =	strace s9  }
0x27: {  	s1 =	sld [smem:$0x3FAD]  }
0x28: {  	s2 =	sld [smem:$0x3FAE]  }
0x29: {  	s4 =	sld [smem:$0x3FB0]  }
0x2a: {  	p0 =	seq.s32 s5, $0x0;
	s5 =	sld [smem:$0x3FB1]  }
0x2b: {  	s6 =	sld [smem:$0x3FB2]  }
0x2c: {  	s7 =	sld [smem:$0x3FB3]  }
0x2d: {  	s3 =	simm.s32 $0x108;
	s8 =	sld [smem:$0x3FB4]  }
0x2e: {  	s3 =	simm.s32 @!p0 $0x1082;
	s9 =	sld [smem:$0x3FB5]  }
0x2f: {  	lr =	sadd.s32 s0, s3;
	s0 =	sld [smem:$0x3FAC]  }
0x30: {  	s3 =	sld [smem:$0x3FAF]  }
0x31: {  	[smem:$0x3FB8] =	sst s10  }
0x32: {  	s10 =	sld [smem:$0x3FB6];
	_ =	sdelay $0x3  }
0x33: {  	p0 =	seq.s32 s10, $0x1;
	s10 =	sld [smem:$0x3FB8];
	_ =	sdelay $0x3  }
0x34: {  	[smem:$0x3FB8] =	sst s10  }
0x35: {  	s10 =	sld [smem:$0x3FB7];
	_ =	sdelay $0x3  }
0x36: {  	p1 =	seq.s32 s10, $0x1;
	s10 =	sld [smem:$0x3FB8];
	_ =	sdelay $0x3  }
0x37: {  	[smem:$0x3FB8] =	sst s10  }
0x38: {  	s10 =	sld [smem:$0x3FB9]  }
0x39: {  	_ = 	snop;
	(pc) =	sbr.ind lr, $3  }
0x3a: {  	_ = 	snop  }
0x3b: {  	_ = 	snop  }
0x3c: {  	p2 =	seq.s32 s10, $0x1;
	s10 =	sld [smem:$0x3FB8]  }
0x3d: {  	_ =	shalt  }
0x3e: {  	_ =	shalt  }
0x3f: {  	_ =	shalt  }
0x40: {  	_ =	shalt  }
0x41: {  	_ =	shalt  }
0x42: {  	_ =	shalt  }
0x43: {  	_ =	shalt  }
0x44: {  	_ =	shalt  }
0x45: {  	_ =	shalt  }
0x46: {  	_ =	shalt  }
0x47: {  	_ =	shalt  }
0x48: {  	_ =	shalt  }
0x49: {  	_ =	shalt  }
0x4a: {  	_ =	shalt  }
0x4b: {  	_ =	shalt  }
0x4c: {  	_ =	shalt  }
0x4d: {  	_ =	shalt  }
0x4e: {  	_ =	shalt  }
0x4f: {  	_ =	shalt  }
0x50: {  	_ =	shalt  }
0x51: {  	_ =	shalt  }
0x52: {  	_ =	shalt  }
0x53: {  	_ =	shalt  }
0x54: {  	_ =	shalt  }
0x55: {  	_ =	shalt  }
0x56: {  	_ =	shalt  }
0x57: {  	_ =	shalt  }
0x58: {  	_ =	shalt  }
0x59: {  	_ =	shalt  }
0x5a: {  	_ =	shalt  }
0x5b: {  	_ =	shalt  }
0x5c: {  	_ =	shalt  }
0x5d: {  	_ =	shalt  }
0x5e: {  	_ =	shalt  }
0x5f: {  	_ =	shalt  }
0x60: {  	_ =	shalt  }
0x61: {  	_ =	shalt  }
0x62: {  	_ =	shalt  }
0x63: {  	_ =	shalt  }
0x64: {  	_ =	shalt  }
0x65: {  	_ =	shalt  }
0x66: {  	_ =	shalt  }
0x67: {  	_ =	shalt  }
0x68: {  	_ =	shalt  }
0x69: {  	_ =	shalt  }
0x6a: {  	_ =	shalt  }
0x6b: {  	_ =	shalt  }
0x6c: {  	_ =	shalt  }
0x6d: {  	_ =	shalt  }
0x6e: {  	_ =	shalt  }
0x6f: {  	_ =	shalt  }
0x70: {  	_ =	shalt  }
0x71: {  	_ =	shalt  }
0x72: {  	_ =	shalt  }
0x73: {  	_ =	shalt  }
0x74: {  	_ =	shalt  }
0x75: {  	_ =	shalt  }
0x76: {  	_ =	shalt  }
0x77: {  	_ =	shalt  }
0x78: {  	_ =	shalt  }
0x79: {  	_ =	shalt  }
0x7a: {  	_ =	shalt  }
0x7b: {  	_ =	shalt  }
0x7c: {  	_ =	shalt  }
0x7d: {  	_ =	shalt  }
0x7e: {  	_ =	shalt  }
0x7f: {  	_ =	shalt  }
0x80: {  	_ =	shalt  }
0x81: {  	_ =	shalt  }
0x82: {  	_ =	shalt  }
0x83: {  	_ =	shalt  }
0x84: {  	_ =	shalt  }
0x85: {  	_ =	shalt  }
0x86: {  	_ =	shalt  }
0x87: {  	_ =	shalt  }
.Lfunc_end0:
.L_simem_size_0:
called_computation_lowered:
.L_overlay_start_0:
0x88: {  	s2 =	sld [smem:$0x3FD9]  }
0x89: {  	s3 =	sld [smem:$0x3FFE];
	_ =	sdelay $0x1  }
0x8a: {  	s1 =	srdreg.scid  }
0x8b: {  	s0 =	sand.u32 $0x1, s1  }
0x8c: {  	s17 =	sshll.u32 s0, $0xA;
	s2 =	sadd.s32 s3, s2  }
0x8d: {  	s2 =	sadd.s32 s2, s17  }
0x8e: {  	[smem:$0x3FC4] =	sst s2  }
0x8f: {  	_ = 	snop  }
0x90: {  	s2 =	sld [smem:$0x3FD0];
	(tm) =	ssettm $0x1  }
0x91: {  	s18 =	sld [smem:$0x3FFB];
	_ =	sdelay $0x3  }
0x92: {  	_ =	strace s18  }
0x93: {  	s3 =	sld [smem:$0x3FFC];
	_ =	sdelay $0x3  }
0x94: {  	_ =	strace s3  }
0x95: {  	s3 =	sld [smem:$0x3FFD];
	_ =	sdelay $0x3  }
0x96: {  	_ =	strace s3  }
0x97: {  	_ =	strace $0x8FFFFFFF  }
0x98: {  	s19 =	sld [smem:$0x3FDB];
	_ =	sdelay $0x1  }
0x99: {  	s4 =	simm.s32 $_scs_section_size  }
0x9a: {  	s5 =	simm.s32 $_size__tile_overlayer_lowered;
	s6 =	simm.s32 $_tile_overlayer_lowered  }
0x9b: {  	s22 =	simm.s32 $0x1BFF;
	s21 =	sshll.u32 s6, $0x1;
	s3 =	sadd.s32 s4, s19  }
0x9c: {  	s7 =	simm.s32 $0x0;
	s20 =	sshll.u32 s5, $0x1;
	s5 =	sadd.s32 s21, s3  }
0x9d: {  	[timem:s7], [sflag:s22] =	dma.local [hbm:s5], s20  }
0x9e: {  	_ =	swait.ge [sflag:s22], s20  }
0x9f: {  	s4 =	ssub.s32 $0x0, s20;
	[sflag:s22] =	ssyncset.done $0x0  }
0xa0: {  	[sflag:s22] =	ssyncadd.s32 s4;
	_ =	sdelay $0x1  }
0xa1: {  	s23 =	simm.s32 $0x1B8B  }
0xa2: {  	_ =	swait.ge [sflag:s23], $0x1  }
0xa3: {  	[sflag:s23] =	ssyncset.done $0x0  }
0xa4: {  	s25 =	simm.s32 $0x1B8E;
	s24 =	sld [smem:$0x3FFE];
	[sflag:s23] =	ssyncadd.s32 $0xFFFFFFFF  }
0xa5: {  	s26 =	simm.s32 $execute0_lowered;
	[smem:$0x3FD2] =	sst s25  }
0xa6: {  	s5 =	sshll.u32 s26, $0x1;
	_ =	strace $0x80000046;
	[dreg:$0x1] =	wrdreg $0xFFFFFFFF  }
0xa7: {  	s28 =	simm.s32 $_size_execute0_lowered;
	s3 =	sadd.s32 s3, s5;
	[dreg:$0x0] =	wrdreg $0x0  }
0xa8: {  	s5 =	sshll.u32 s28, $0x1;
	[dreg:$0x2] =	wrdreg s3  }
0xa9: {  	[dreg:$0x3] =	wrdreg s5  }
0xaa: {  	[dreg:$0x4] =	wrdreg $0xC0  }
0xab: {  	_ =	task [dreg:s7], $0x5FFFF  }
0xac: {  	[dreg:$0x1] =	wrdreg $0xFFFFFFFF  }
0xad: {  	[dreg:$0x0] =	wrdreg $0x60  }
0xae: {  	[dreg:$0x2] =	wrdreg s24  }
0xaf: {  	[dreg:$0x3] =	wrdreg s2  }
0xb0: {  	[dreg:$0x4] =	wrdreg $0xB8000  }
0xb1: {  	[dreg:$0x5] =	wrdreg $0x9  }
0xb2: {  	_ =	task.clear_ibuf [dreg:s7], $0x6FFFF;
	_ =	strace $0x90000046  }
0xb3: {  	s29 =	simm.s32 $0x9;
	_ =	strace $0x80000048  }
0xb4: {  	_ =	swait.ge [sflag:s29], $0x1  }
0xb5: {  	[sflag:s29] =	ssyncadd.s32 $0xFFFFFFFF  }
0xb6: {  	_ =	strace $0x90000048  }
0xb7: {  	_ =	sfence  }
0xb8: {  	s30 =	sld [smem:$0x0];
	_ =	sdelay $0x2  }
0xb9: {  	s31 =	sshll.u32 s1, $0xD;
	s1 =	sshrl.u32 s1, $0x2  }
0xba: {  	s3 =	sand.u32 $0x4000, s31;
	s1 =	sadd.s32 s1, s30  }
0xbb: {  	s0 =	sor.u32 s3, s0;
	s1 =	sshll.u32 s1, $0x11  }
0xbc: {  	s0 =	sor.u32 s1, s0  }
0xbd: {  	s0 =	sadd.s32 $0x8F2B, s0  }
0xbe: {  	[sflag:s0] =	ssyncadd.remote.s32 $0x1  }
0xbf: {  	_ =	sfence.sel $0xFFFF  }
0xc0: {  	[dreg:$0x0] =	wrdreg $0xFFFFFFFF;
	(pc) =	sbr.abs _section_cstart, $3  }
0xc1: {  	[dreg:$0x1] =	wrdreg $0xFFFFFFFF  }
0xc2: {  	_ =	task.clear_ibuf [dreg:s7], $0x2FFFF;
	_ =	strace $0x9FFFFFFF  }
0xc3: {  	(tm) =	ssettm $0x7FFFFFFF  }
tec
execute0_lowered:
.L_overlay_start_1:
0x0: {  	(tag) =	ssettag $0x1  }
0x1: {  	s0 =	rddreg [dreg:$0x0]  }
0x2: {  	s1 =	srdreg.scid;
	s6 =	rddreg [dreg:$0x1]  }
0x3: {  	s2 =	rddreg [dreg:$0x2];
	s11 =	stileid.u32  }
0x4: {  	s3 =	simm.s32 $0x0;
	s31 =	simm.s32 $0x3;
	s12 =	simm.s32 $0x2  }
0x5: {  	s13 =	simm.s32 $0x2700;
	s14 =	simm.s32 $0x2780;
	s5 =	smul.u32 $0x4F000, s11  }
0x6: {  	s1 =	sand.u32 $0x1, s1;
	[smem:$0x7FF] =	sst s3;
	s16 =	smul.u32 $0x2780, s11  }
0x7: {  	s4 =	sshll.u32 s1, $0x4;
	s8 =	smul.u32 $0x27800, s1;
	s1 =	ssub.s32 $0x2, s1  }
0x8: {  	_ =	strace $0x80000047;
	s4 =	sor.u32 s11, s4;
	s10 =	sshrl.u32 s1, $0x1  }
0x9: {  	s5 =	sshrl.u32 s5, $0x2;
	s11 =	simm.s32 $0x1;
	s7 =	smul.u32 $0x500, s4  }
0xa: {  	s4 =	sadd.s32 $0xA00, s0;
	s1 =	ssub.s32 s1, s10;
	s5 =	sadd.s32 s5, s2  }
0xb: {  	s10 =	simm.s32 $0xA800;
	s15 =	sadd.s32 $0x13000, s5;
	s1 =	smax.u32 s1, $0x1  }
0xc: {  	s21 =	sadd.s32 $0x1000, s5;
	s22 =	sadd.s32 $0x2000, s5;
	[dreg:$0x5] =	wrdreg s15  }
0xd: {  	s23 =	sadd.s32 $0x3000, s5;
	s24 =	sadd.s32 $0x4000, s5;
	[dreg:$0x7] =	wrdreg s1  }
0xe: {  	s25 =	sadd.s32 $0x5000, s5;
	s26 =	sadd.s32 $0x6000, s5;
	[dreg:$0x8] =	wrdreg s21  }
0xf: {  	s17 =	sadd.s32 $0x7000, s5;
	s18 =	sadd.s32 $0x8000, s5;
	[dreg:$0x9] =	wrdreg s22  }
0x10: {  	s19 =	sadd.s32 $0x9000, s5;
	s20 =	sadd.s32 $0xA000, s5;
	[dreg:$0xa] =	wrdreg s23  }
0x11: {  	s28 =	sadd.s32 $0x10000, s5;
	s29 =	sadd.s32 $0x11000, s5;
	[dreg:$0xb] =	wrdreg s24  }
0x12: {  	s30 =	sadd.s32 $0x12000, s5;
	s9 =	sadd.s32 s7, s0;
	[dreg:$0xc] =	wrdreg s25  }
0x13: {  	s0 =	sadd.s32 s8, s0;
	s6 =	sadd.s32 s6, s7;
	[dreg:$0xd] =	wrdreg s26  }
0x14: {  	s21 =	sadd.s32 $0xB000, s5;
	s22 =	sadd.s32 $0xC000, s5;
	s23 =	sadd.s32 $0xD000, s5  }
0x15: {  	s25 =	sadd.s32 $0xE000, s5;
	s26 =	sadd.s32 $0xF000, s5;
	s1 =	simm.s32 $0x80  }
0x16: {  	s8 =	simm.s32 $0x2800;
	s7 =	sadd.s32 $0x41F600, s9;
	[dreg:$0x4] =	wrdreg s6  }
0x17: {  	s6 =	sadd.s32 $0x280, s6;
	s0 =	sadd.s32 $0x429600, s0;
	s9 =	simm.s32 $0x6800  }
0x18: {  	v0 =	vimm.f32 $0.0e+00;
	[dreg:$0x6] =	wrdreg s6;
	s24 =	sadd.s32 s16, s0;
	s0 =	simm.s32 $0x1400  }
.LBB2_1:
0x19: {  	s6 =	simm.s32 $0x0;
	s15 =	simm.s32 $0x200  }
.LBB2_2:
0x1a: {  	p0 =	sne.s32 s15, $0x3E00;
	[tilespmem:s6+$0xA870] =	vst v0  }
0x1b: {  	[tilespmem:s6+$0xA800] =	vst v0  }
0x1c: {  	[tilespmem:s6+$0xA810] =	vst v0  }
.Ltmp0:
0x1d: {  	[tilespmem:s6+$0xA820] =	vst v0;
	(pc) =	sbr.rel @p0 .LBB2_2-.Ltmp0, $4  }
0x1e: {  	[tilespmem:s6+$0xA830] =	vst v0  }
0x1f: {  	[tilespmem:s6+$0xA840] =	vst v0  }
0x20: {  	[tilespmem:s6+$0xA850] =	vst v0  }
0x21: {  	[tilespmem:s6+$0xA860] =	vst v0;
	s6 =	sshra.s32 s15, $0x2;
	s15 =	sadd.s32 $0x200, s15  }
0x22: {  	[tilespmem:s6+$0xA870] =	vst v0  }
0x23: {  	[tilespmem:s6+$0xA800] =	vst v0  }
0x24: {  	[tilespmem:s6+$0xA810] =	vst v0  }
0x25: {  	[tilespmem:s6+$0xA820] =	vst v0  }
0x26: {  	[tilespmem:s6+$0xA830] =	vst v0  }
0x27: {  	[tilespmem:s6+$0xA840] =	vst v0  }
0x28: {  	[tilespmem:s6+$0xA850] =	vst v0  }
0x29: {  	[tilespmem:s6+$0xA860] =	vst v0;
	s16 =	simm.s32 $0x0;
	s15 =	rddreg [dreg:$0x4]  }
0x2a: {  	[tilespmem:s16], [sflag:$0x3] =	stream.linear.gather [hbm4b:s15+s16], $0x1400, $0x38;
	[tilespmem:$0x1F400] =	vst v63  }
0x2b: {  	_ =	swait.ge [sflag:s31], $0x1400  }
0x2c: {  	[sflag:s31] =	ssyncset.done $0x0  }
0x2d: {  	[sflag:s31] =	ssyncadd.s32 $0xFFFFEC00  }
0x2e: {  	[tilespmem:s0], [sflag:$0x3] =	stream.linear.gather [hbm4b:s7+s16], $0x1400, $0x38;
	[tilespmem:$0x1F400] =	vst v63  }
0x2f: {  	_ =	swait.ge [sflag:s31], $0x1400  }
0x30: {  	[sflag:s31] =	ssyncset.done $0x0  }
0x31: {  	[sflag:s31] =	ssyncadd.s32 $0xFFFFEC00  }
0x32: {  	[tilespmem:s8], [sflag:$0x1] =	stream.indirect.gather [hbm4b:s4+s1], $0x80, s16, s1, $0xb8;
	[tilespmem:$0x1F400] =	vst v63  }
0x33: {  	_ = 	snop  }
0x34: {  	[tilespmem:s9], [sflag:$0x2] =	stream.indirect.gather [hbm4b:s4+s1], $0x80, s1, s1, $0xb8;
	[tilespmem:$0x1F400] =	vst v63  }
0x35: {  	_ = 	snop  }
0x36: {  	[spmem:s5] =	stream.linear.scatter [tilespmem:s10], [sflag:$0x3], $0x1000, $0x38;
	[tilespmem:$0x1F400] =	vst v63  }
0x37: {  	_ =	swait.ge [sflag:s31], $0x1000  }
0x38: {  	[sflag:s31] =	ssyncset.done $0x0  }
0x39: {  	s15 =	rddreg [dreg:$0x8];
	[sflag:s31] =	ssyncadd.s32 $0xFFFFF000  }
0x3a: {  	[spmem:s15] =	stream.linear.scatter [tilespmem:s10], [sflag:$0x3], $0x1000, $0x38;
	[tilespmem:$0x1F400] =	vst v63  }
0x3b: {  	_ =	swait.ge [sflag:s31], $0x1000  }
0x3c: {  	[sflag:s31] =	ssyncset.done $0x0  }
0x3d: {  	s16 =	rddreg [dreg:$0x9];
	[sflag:s31] =	ssyncadd.s32 $0xFFFFF000  }
0x3e: {  	[spmem:s16] =	stream.linear.scatter [tilespmem:s10], [sflag:$0x3], $0x1000, $0x38;
	[tilespmem:$0x1F400] =	vst v63  }
0x3f: {  	_ =	swait.ge [sflag:s31], $0x1000  }
0x40: {  	[sflag:s31] =	ssyncset.done $0x0  }
0x41: {  	s15 =	rddreg [dreg:$0xa];
	[sflag:s31] =	ssyncadd.s32 $0xFFFFF000  }
0x42: {  	[spmem:s15] =	stream.linear.scatter [tilespmem:s10], [sflag:$0x3], $0x1000, $0x38;
	[tilespmem:$0x1F400] =	vst v63  }
0x43: {  	_ =	swait.ge [sflag:s31], $0x1000  }
0x44: {  	[sflag:s31] =	ssyncset.done $0x0  }
0x45: {  	s16 =	rddreg [dreg:$0xb];
	[sflag:s31] =	ssyncadd.s32 $0xFFFFF000  }
0x46: {  	[spmem:s16] =	stream.linear.scatter [tilespmem:s10], [sflag:$0x3], $0x1000, $0x38;
	[tilespmem:$0x1F400] =	vst v63  }
0x47: {  	_ =	swait.ge [sflag:s31], $0x1000  }
0x48: {  	[sflag:s31] =	ssyncset.done $0x0  }
0x49: {  	s15 =	rddreg [dreg:$0xc];
	[sflag:s31] =	ssyncadd.s32 $0xFFFFF000  }
0x4a: {  	[spmem:s15] =	stream.linear.scatter [tilespmem:s10], [sflag:$0x3], $0x1000, $0x38;
	[tilespmem:$0x1F400] =	vst v63  }
0x4b: {  	_ =	swait.ge [sflag:s31], $0x1000  }
0x4c: {  	[sflag:s31] =	ssyncset.done $0x0  }
0x4d: {  	s16 =	rddreg [dreg:$0xd];
	[sflag:s31] =	ssyncadd.s32 $0xFFFFF000  }
0x4e: {  	[spmem:s16] =	stream.linear.scatter [tilespmem:s10], [sflag:$0x3], $0x1000, $0x38;
	[tilespmem:$0x1F400] =	vst v63  }
0x4f: {  	_ =	swait.ge [sflag:s31], $0x1000  }
0x50: {  	[sflag:s31] =	ssyncset.done $0x0  }
0x51: {  	[sflag:s31] =	ssyncadd.s32 $0xFFFFF000  }
0x52: {  	[spmem:s17] =	stream.linear.scatter [tilespmem:s10], [sflag:$0x3], $0x1000, $0x38;
	[tilespmem:$0x1F400] =	vst v63  }
0x53: {  	_ =	swait.ge [sflag:s31], $0x1000  }
0x54: {  	[sflag:s31] =	ssyncset.done $0x0  }
0x55: {  	[sflag:s31] =	ssyncadd.s32 $0xFFFFF000  }
0x56: {  	[spmem:s18] =	stream.linear.scatter [tilespmem:s10], [sflag:$0x3], $0x1000, $0x38;
	[tilespmem:$0x1F400] =	vst v63  }
0x57: {  	_ =	swait.ge [sflag:s31], $0x1000  }
0x58: {  	[sflag:s31] =	ssyncset.done $0x0  }
0x59: {  	[sflag:s31] =	ssyncadd.s32 $0xFFFFF000  }
0x5a: {  	[spmem:s19] =	stream.linear.scatter [tilespmem:s10], [sflag:$0x3], $0x1000, $0x38;
	[tilespmem:$0x1F400] =	vst v63  }
0x5b: {  	_ =	swait.ge [sflag:s31], $0x1000  }
0x5c: {  	[sflag:s31] =	ssyncset.done $0x0  }
0x5d: {  	[sflag:s31] =	ssyncadd.s32 $0xFFFFF000  }
0x5e: {  	[spmem:s20] =	stream.linear.scatter [tilespmem:s10], [sflag:$0x3], $0x1000, $0x38;
	[tilespmem:$0x1F400] =	vst v63  }
0x5f: {  	_ =	swait.ge [sflag:s31], $0x1000  }
0x60: {  	[sflag:s31] =	ssyncset.done $0x0  }
0x61: {  	[sflag:s31] =	ssyncadd.s32 $0xFFFFF000  }
0x62: {  	[spmem:s21] =	stream.linear.scatter [tilespmem:s10], [sflag:$0x3], $0x1000, $0x38;
	[tilespmem:$0x1F400] =	vst v63  }
0x63: {  	_ =	swait.ge [sflag:s31], $0x1000  }
0x64: {  	[sflag:s31] =	ssyncset.done $0x0  }
0x65: {  	[sflag:s31] =	ssyncadd.s32 $0xFFFFF000  }
0x66: {  	[spmem:s22] =	stream.linear.scatter [tilespmem:s10], [sflag:$0x3], $0x1000, $0x38;
	[tilespmem:$0x1F400] =	vst v63  }
0x67: {  	_ =	swait.ge [sflag:s31], $0x1000  }
0x68: {  	[sflag:s31] =	ssyncset.done $0x0  }
0x69: {  	[sflag:s31] =	ssyncadd.s32 $0xFFFFF000  }
0x6a: {  	[spmem:s23] =	stream.linear.scatter [tilespmem:s10], [sflag:$0x3], $0x1000, $0x38;
	[tilespmem:$0x1F400] =	vst v63  }
0x6b: {  	_ =	swait.ge [sflag:s31], $0x1000  }
0x6c: {  	[sflag:s31] =	ssyncset.done $0x0  }
0x6d: {  	[sflag:s31] =	ssyncadd.s32 $0xFFFFF000  }
0x6e: {  	[spmem:s25] =	stream.linear.scatter [tilespmem:s10], [sflag:$0x3], $0x1000, $0x38;
	[tilespmem:$0x1F400] =	vst v63  }
0x6f: {  	_ =	swait.ge [sflag:s31], $0x1000  }
0x70: {  	[sflag:s31] =	ssyncset.done $0x0  }
0x71: {  	[sflag:s31] =	ssyncadd.s32 $0xFFFFF000  }
0x72: {  	[spmem:s26] =	stream.linear.scatter [tilespmem:s10], [sflag:$0x3], $0x1000, $0x38;
	[tilespmem:$0x1F400] =	vst v63  }
0x73: {  	_ =	swait.ge [sflag:s31], $0x1000  }
0x74: {  	[sflag:s31] =	ssyncset.done $0x0  }
0x75: {  	[sflag:s31] =	ssyncadd.s32 $0xFFFFF000  }
0x76: {  	[spmem:s28] =	stream.linear.scatter [tilespmem:s10], [sflag:$0x3], $0x1000, $0x38;
	[tilespmem:$0x1F400] =	vst v63  }
0x77: {  	_ =	swait.ge [sflag:s31], $0x1000  }
0x78: {  	[sflag:s31] =	ssyncset.done $0x0  }
0x79: {  	[sflag:s31] =	ssyncadd.s32 $0xFFFFF000  }
0x7a: {  	[spmem:s29] =	stream.linear.scatter [tilespmem:s10], [sflag:$0x3], $0x1000, $0x38;
	[tilespmem:$0x1F400] =	vst v63  }
0x7b: {  	_ =	swait.ge [sflag:s31], $0x1000  }
0x7c: {  	[sflag:s31] =	ssyncset.done $0x0  }
0x7d: {  	[sflag:s31] =	ssyncadd.s32 $0xFFFFF000  }
0x7e: {  	[spmem:s30] =	stream.linear.scatter [tilespmem:s10], [sflag:$0x3], $0x1000, $0x38;
	[tilespmem:$0x1F400] =	vst v63  }
0x7f: {  	_ =	swait.ge [sflag:s31], $0x1000  }
0x80: {  	[sflag:s31] =	ssyncset.done $0x0  }
0x81: {  	s15 =	rddreg [dreg:$0x5];
	[sflag:s31] =	ssyncadd.s32 $0xFFFFF000  }
0x82: {  	[spmem:s15] =	stream.linear.scatter [tilespmem:s10], [sflag:$0x3], $0xC00, $0x38;
	[tilespmem:$0x1F400] =	vst v63  }
0x83: {  	_ =	swait.ge [sflag:s31], $0xC00  }
0x84: {  	[sflag:s31] =	ssyncset.done $0x0  }
0x85: {  	[sflag:s31] =	ssyncadd.s32 $0xFFFFF400  }
0x86: {  	[bflag:$0x0] =	sbarrier.arrive $0xFFFF  }
0x87: {  	_ =	swait.ge [sflag:s11], $0x4000  }
0x88: {  	[sflag:s11] =	ssyncset.done $0x0  }
0x89: {  	s16 =	simm.s32 $0x1400;
	[sflag:s11] =	ssyncadd.s32 $0xFFFFC000  }
0x8a: {  	[spmem:s2] =	stream.indirect.scatter.add.f32 [tilespmem:s8], [sflag:$0x3], $0x80, s16, s1, $0xb8;
	[tilespmem:$0x1F400] =	vst v63  }
0x8b: {  	_ =	swait.ge [sflag:s31], $0x4000  }
0x8c: {  	[sflag:s31] =	ssyncset.done $0x0  }
0x8d: {  	s15 =	simm.s32 $0x100;
	[sflag:s31] =	ssyncadd.s32 $0xFFFFC000  }
0x8e: {  	[tilespmem:s8], [sflag:$0x1] =	stream.indirect.gather [hbm4b:s4+s1], $0x80, s15, s1, $0xb8;
	[tilespmem:$0x1F400] =	vst v63  }
0x8f: {  	_ =	swait.ge [sflag:s12], $0x4000  }
0x90: {  	[sflag:s12] =	ssyncset.done $0x0  }
0x91: {  	s16 =	simm.s32 $0x1480;
	[sflag:s12] =	ssyncadd.s32 $0xFFFFC000  }
0x92: {  	[spmem:s2] =	stream.indirect.scatter.add.f32 [tilespmem:s9], [sflag:$0x3], $0x80, s16, s1, $0xb8;
	[tilespmem:$0x1F400] =	vst v63  }
0x93: {  	_ =	swait.ge [sflag:s31], $0x4000  }
0x94: {  	[sflag:s31] =	ssyncset.done $0x0  }
0x95: {  	s6 =	simm.s32 $0x400;
	s15 =	simm.s32 $0x180;
	[sflag:s31] =	ssyncadd.s32 $0xFFFFC000  }
.LBB2_4:
0x96: {  	[tilespmem:s9], [sflag:$0x2] =	stream.indirect.gather [hbm4b:s4+s1], $0x80, s15, s1, $0xb8;
	[tilespmem:$0x1F400] =	vst v63  }
0x97: {  	s15 =	smov.u32 s6  }
0x98: {  	p0 =	sne.s32 s6, $0x4800;
	s6 =	sadd.s32 $0x400, s6;
	_ =	swait.ge [sflag:s11], $0x4000  }
0x99: {  	s15 =	sshra.s32 s15, $0x2;
	[sflag:s11] =	ssyncset.done $0x0  }
0x9a: {  	s16 =	sadd.s32 $0x1400, s15;
	[sflag:s11] =	ssyncadd.s32 $0xFFFFC000  }
0x9b: {  	[spmem:s2] =	stream.indirect.scatter.add.f32 [tilespmem:s8], [sflag:$0x3], $0x80, s16, s1, $0xb8;
	[tilespmem:$0x1F400] =	vst v63  }
0x9c: {  	_ =	swait.ge [sflag:s31], $0x4000  }
0x9d: {  	[sflag:s31] =	ssyncset.done $0x0  }
0x9e: {  	s16 =	sadd.s32 $0x100, s15;
	[sflag:s31] =	ssyncadd.s32 $0xFFFFC000  }
0x9f: {  	[tilespmem:s8], [sflag:$0x1] =	stream.indirect.gather [hbm4b:s4+s1], $0x80, s16, s1, $0xb8;
	[tilespmem:$0x1F400] =	vst v63  }
0xa0: {  	_ =	swait.ge [sflag:s12], $0x4000  }
0xa1: {  	[sflag:s12] =	ssyncset.done $0x0  }
.Ltmp1:
0xa2: {  	s16 =	sadd.s32 $0x1480, s15;
	[sflag:s12] =	ssyncadd.s32 $0xFFFFC000;
	(pc) =	sbr.rel @p0 .LBB2_4-.Ltmp1, $4  }
0xa3: {  	[spmem:s2] =	stream.indirect.scatter.add.f32 [tilespmem:s9], [sflag:$0x3], $0x80, s16, s1, $0xb8;
	[tilespmem:$0x1F400] =	vst v63  }
0xa4: {  	_ =	swait.ge [sflag:s31], $0x4000  }
0xa5: {  	[sflag:s31] =	ssyncset.done $0x0  }
0xa6: {  	s15 =	sadd.s32 $0x180, s15;
	[sflag:s31] =	ssyncadd.s32 $0xFFFFC000  }
0xa7: {  	[tilespmem:s9], [sflag:$0x2] =	stream.indirect.gather [hbm4b:s4+s1], $0x80, s15, s1, $0xb8;
	[tilespmem:$0x1F400] =	vst v63  }
0xa8: {  	_ =	swait.ge [sflag:s11], $0x4000  }
0xa9: {  	[sflag:s11] =	ssyncset.done $0x0  }
0xaa: {  	[sflag:s11] =	ssyncadd.s32 $0xFFFFC000  }
0xab: {  	[spmem:s2] =	stream.indirect.scatter.add.f32 [tilespmem:s8], [sflag:$0x3], $0x80, s13, s1, $0xb8;
	[tilespmem:$0x1F400] =	vst v63  }
0xac: {  	_ =	swait.ge [sflag:s31], $0x4000  }
0xad: {  	[sflag:s31] =	ssyncset.done $0x0  }
0xae: {  	[sflag:s31] =	ssyncadd.s32 $0xFFFFC000  }
0xaf: {  	_ =	swait.ge [sflag:s12], $0x4000  }
0xb0: {  	[sflag:s12] =	ssyncset.done $0x0  }
0xb1: {  	[sflag:s12] =	ssyncadd.s32 $0xFFFFC000  }
0xb2: {  	[spmem:s2] =	stream.indirect.scatter.add.f32 [tilespmem:s9], [sflag:$0x3], $0x80, s14, s1, $0xb8;
	[tilespmem:$0x1F400] =	vst v63  }
0xb3: {  	_ =	swait.ge [sflag:s31], $0x4000  }
0xb4: {  	[sflag:s31] =	ssyncset.done $0x0  }
0xb5: {  	s6 =	simm.s32 $0x0;
	s16 =	rddreg [dreg:$0x6];
	[sflag:s31] =	ssyncadd.s32 $0xFFFFC000  }
0xb6: {  	[tilespmem:s6], [sflag:$0x3] =	stream.linear.gather [hbm4b:s16+s6], $0x1400, $0x38;
	[tilespmem:$0x1F400] =	vst v63  }
0xb7: {  	_ =	swait.ge [sflag:s31], $0x1400  }
0xb8: {  	[sflag:s31] =	ssyncset.done $0x0  }
0xb9: {  	s16 =	sadd.s32 $0x280, s7;
	[sflag:s31] =	ssyncadd.s32 $0xFFFFEC00  }
0xba: {  	[tilespmem:s0], [sflag:$0x3] =	stream.linear.gather [hbm4b:s16+s6], $0x1400, $0x38;
	[tilespmem:$0x1F400] =	vst v63  }
0xbb: {  	_ =	swait.ge [sflag:s31], $0x1400  }
0xbc: {  	[sflag:s31] =	ssyncset.done $0x0  }
0xbd: {  	[sflag:s31] =	ssyncadd.s32 $0xFFFFEC00  }
0xbe: {  	[tilespmem:s8], [sflag:$0x1] =	stream.indirect.gather [hbm4b:s4+s1], $0x80, s6, s1, $0xb8;
	[tilespmem:$0x1F400] =	vst v63  }
0xbf: {  	_ = 	snop  }
0xc0: {  	[tilespmem:s9], [sflag:$0x2] =	stream.indirect.gather [hbm4b:s4+s1], $0x80, s1, s1, $0xb8;
	[tilespmem:$0x1F400] =	vst v63  }
0xc1: {  	_ =	swait.ge [sflag:s11], $0x4000  }
0xc2: {  	[sflag:s11] =	ssyncset.done $0x0  }
0xc3: {  	s16 =	simm.s32 $0x1400;
	[sflag:s11] =	ssyncadd.s32 $0xFFFFC000  }
0xc4: {  	[spmem:s2] =	stream.indirect.scatter.add.f32 [tilespmem:s8], [sflag:$0x3], $0x80, s16, s1, $0xb8;
	[tilespmem:$0x1F400] =	vst v63  }
0xc5: {  	_ =	swait.ge [sflag:s31], $0x4000  }
0xc6: {  	[sflag:s31] =	ssyncset.done $0x0  }
0xc7: {  	s15 =	simm.s32 $0x100;
	[sflag:s31] =	ssyncadd.s32 $0xFFFFC000  }
0xc8: {  	[tilespmem:s8], [sflag:$0x1] =	stream.indirect.gather [hbm4b:s4+s1], $0x80, s15, s1, $0xb8;
	[tilespmem:$0x1F400] =	vst v63  }
0xc9: {  	_ =	swait.ge [sflag:s12], $0x4000  }
0xca: {  	[sflag:s12] =	ssyncset.done $0x0  }
0xcb: {  	s16 =	simm.s32 $0x1480;
	[sflag:s12] =	ssyncadd.s32 $0xFFFFC000  }
0xcc: {  	[spmem:s2] =	stream.indirect.scatter.add.f32 [tilespmem:s9], [sflag:$0x3], $0x80, s16, s1, $0xb8;
	[tilespmem:$0x1F400] =	vst v63  }
0xcd: {  	_ =	swait.ge [sflag:s31], $0x4000  }
0xce: {  	[sflag:s31] =	ssyncset.done $0x0  }
0xcf: {  	s6 =	simm.s32 $0x400;
	s15 =	simm.s32 $0x180;
	[sflag:s31] =	ssyncadd.s32 $0xFFFFC000  }
.LBB2_6:
0xd0: {  	[tilespmem:s9], [sflag:$0x2] =	stream.indirect.gather [hbm4b:s4+s1], $0x80, s15, s1, $0xb8;
	[tilespmem:$0x1F400] =	vst v63  }
0xd1: {  	s15 =	smov.u32 s6  }
0xd2: {  	p0 =	sne.s32 s6, $0x4800;
	s6 =	sadd.s32 $0x400, s6;
	_ =	swait.ge [sflag:s11], $0x4000  }
0xd3: {  	s15 =	sshra.s32 s15, $0x2;
	[sflag:s11] =	ssyncset.done $0x0  }
0xd4: {  	s16 =	sadd.s32 $0x1400, s15;
	[sflag:s11] =	ssyncadd.s32 $0xFFFFC000  }
0xd5: {  	[spmem:s2] =	stream.indirect.scatter.add.f32 [tilespmem:s8], [sflag:$0x3], $0x80, s16, s1, $0xb8;
	[tilespmem:$0x1F400] =	vst v63  }
0xd6: {  	_ =	swait.ge [sflag:s31], $0x4000  }
0xd7: {  	[sflag:s31] =	ssyncset.done $0x0  }
0xd8: {  	s16 =	sadd.s32 $0x100, s15;
	[sflag:s31] =	ssyncadd.s32 $0xFFFFC000  }
0xd9: {  	[tilespmem:s8], [sflag:$0x1] =	stream.indirect.gather [hbm4b:s4+s1], $0x80, s16, s1, $0xb8;
	[tilespmem:$0x1F400] =	vst v63  }
0xda: {  	_ =	swait.ge [sflag:s12], $0x4000  }
0xdb: {  	[sflag:s12] =	ssyncset.done $0x0  }
.Ltmp2:
0xdc: {  	s16 =	sadd.s32 $0x1480, s15;
	[sflag:s12] =	ssyncadd.s32 $0xFFFFC000;
	(pc) =	sbr.rel @p0 .LBB2_6-.Ltmp2, $4  }
0xdd: {  	[spmem:s2] =	stream.indirect.scatter.add.f32 [tilespmem:s9], [sflag:$0x3], $0x80, s16, s1, $0xb8;
	[tilespmem:$0x1F400] =	vst v63  }
0xde: {  	_ =	swait.ge [sflag:s31], $0x4000  }
0xdf: {  	[sflag:s31] =	ssyncset.done $0x0  }
0xe0: {  	s15 =	sadd.s32 $0x180, s15;
	[sflag:s31] =	ssyncadd.s32 $0xFFFFC000  }
0xe1: {  	[tilespmem:s9], [sflag:$0x2] =	stream.indirect.gather [hbm4b:s4+s1], $0x80, s15, s1, $0xb8;
	[tilespmem:$0x1F400] =	vst v63  }
0xe2: {  	_ =	swait.ge [sflag:s11], $0x4000  }
0xe3: {  	[sflag:s11] =	ssyncset.done $0x0  }
0xe4: {  	[sflag:s11] =	ssyncadd.s32 $0xFFFFC000  }
0xe5: {  	[spmem:s2] =	stream.indirect.scatter.add.f32 [tilespmem:s8], [sflag:$0x3], $0x80, s13, s1, $0xb8;
	[tilespmem:$0x1F400] =	vst v63  }
0xe6: {  	_ =	swait.ge [sflag:s31], $0x4000  }
0xe7: {  	[sflag:s31] =	ssyncset.done $0x0  }
0xe8: {  	[sflag:s31] =	ssyncadd.s32 $0xFFFFC000  }
0xe9: {  	_ =	swait.ge [sflag:s12], $0x4000  }
0xea: {  	[sflag:s12] =	ssyncset.done $0x0  }
0xeb: {  	[sflag:s12] =	ssyncadd.s32 $0xFFFFC000  }
0xec: {  	[spmem:s2] =	stream.indirect.scatter.add.f32 [tilespmem:s9], [sflag:$0x3], $0x80, s14, s1, $0xb8;
	[tilespmem:$0x1F400] =	vst v63  }
0xed: {  	_ =	swait.ge [sflag:s31], $0x4000  }
0xee: {  	s6 =	stileid.u32;
	[sflag:s31] =	ssyncset.done $0x0  }
0xef: {  	s6 =	sshll.u32 s6, $0x6;
	[sflag:s31] =	ssyncadd.s32 $0xFFFFC000  }
0xf0: {  	s16 =	sshrl.u32 s5, $0x3;
	s6 =	sor.u32 $0x1C03, s6;
	[bflag:$0x0] =	sbarrier.arrive $0xFFFF  }
0xf1: {  	[hbm:s24], [sflag:s6] =	dma.local [spmem:s16], $0x2780  }
0xf2: {  	_ =	swait.ge [sflag:s31], $0x2780  }
0xf3: {  	s3 =	sadd.s32 $0x1, s3;
	s16 =	rddreg [dreg:$0x7]  }
0xf4: {  	p0 =	sne.s32 s3, s16  }
.Ltmp3:
0xf5: {  	_ = 	snop;
	(pc) =	sbr.rel @p0 .LBB2_1-.Ltmp3, $3  }
0xf6: {  	_ =	sdelay $0x1  }
0xf7: {  	[sflag:s31] =	ssyncset.done $0x0  }
0xf8: {  	[sflag:s31] =	ssyncadd.s32 $0xFFFFD880  }
0xf9: {  	_ =	sfence.sel $0x180000  }
0xfa: {  	[bflag:$0x0] =	sbarrier.arrive $0xFFFF  }
0xfb: {  	_ =	strace $0x90000047  }
0xfc: {  	s0 =	stileid.u32;
	[bflag:$0x2] =	sbarrier.arrive $0xFFFF  }
0xfd: {  	p0 =	sne.s32 s0, $0x0;
	s0 =	rddreg [dreg:$0x3]  }
0xfe: {  	s0 =	sadd.s32 @!p0 $0x100000, s0  }
0xff: {  	[sflag:s0] =	ssyncadd.tile.s32 @!p0 $0x1;
	_ =	shalt  }
.Lfunc_end2:
_tile_overlayer_lowered:
.L_overlay_start_2:
0x100: {  	(tag) =	ssettag $0x2  }
0x101: {  	s0 =	rddreg [dreg:$0x0];
	s2 =	stileid.u32  }
0x102: {  	s1 =	rddreg [dreg:$0x1];
	p0 =	sne.s32 s2, $0x0  }
0x103: {  	s3 =	rddreg [dreg:$0x2];
	[bflag:$0x3] =	sbarrier.arrive $0xFFFF;
	s2 =	simm.s32 @!p0 $0x1C03  }
0x104: {  	[timem:s3], [sflag:s2] =	dma.local @!p0 [hbm:s0], s1  }
0x105: {  	s0 =	simm.s32 @!p0 $0x3  }
0x106: {  	_ =	swait.ge @!p0 [sflag:s0], s1  }
0x107: {  	s1 =	ssub.s32 @!p0 $0x0, s1;
	[sflag:s0] =	ssyncset.done @!p0 $0x0  }
0x108: {  	[sflag:s0] =	ssyncadd.s32 @!p0 s1  }
0x109: {  	[bflag:$0x3] =	sbarrier.arrive $0xFFFF  }
0x10a: {  	_ =	shalt  }

</sc_bundles>
